<compile_context>
chip_gen: v7x
topology: tpu7x:2x2x1
jax: 0.10.2.dev20260603
libtpu: 0.0.44.dev20260713+nightly
codegen_flags: <defaults>
</compile_context>

<pallas_src>
import functools

import jax
import jax.numpy as jnp
from jax import lax
from jax.experimental import pallas as pl
from jax.experimental.pallas import tpu as pltpu
from jax.experimental.pallas import tpu_sc as plsc

N_NODES = 10000
HIDDEN = 256
HALF = 128
N_EDGES = 160000

NS = 16
CH = 128
NBUF = 2
NIB = 4
CPT = 80
EPT = CPT * CH
E_PAD = EPT * NS
N_JUNK = 8
U_ROWS = N_NODES + N_JUNK
ROWS_PER_TEC = 632
LAST_ROWS = U_ROWS - (NS - 1) * ROWS_PER_TEC
LAST_OUT_ROWS = N_NODES - (NS - 1) * ROWS_PER_TEC


def _sc_segment_sum(x_st, edges, zrows):
  mesh = plsc.VectorSubcoreMesh(core_axis_name="c", subcore_axis_name="s")

  @functools.partial(
      pl.kernel,
      out_type=jax.ShapeDtypeStruct((2, N_NODES, HALF), jnp.float32),
      mesh=mesh,
      scratch_types=[
          pltpu.VMEM((NIB, 2, CH), jnp.int32),
          pltpu.VMEM((NBUF, CH, HALF), jnp.float32),
          pltpu.VMEM_SHARED((U_ROWS, HALF), jnp.float32),
          pltpu.SemaphoreType.DMA,
          pltpu.SemaphoreType.DMA,
          pltpu.SemaphoreType.DMA,
          pltpu.SemaphoreType.DMA,
          pltpu.SemaphoreType.DMA,
          pltpu.SemaphoreType.DMA,
          pltpu.SemaphoreType.DMA,
          pltpu.SemaphoreType.DMA,
      ],
  )
  def seg_sum(x_hbm, e_hbm, z_hbm, out_hbm,
              idx_v, rows_v, acc_sh,
              si0, si1, si2, si3, sg0, sg1, ss0, ss1):
    c = lax.axis_index("c")
    s = lax.axis_index("s")
    si = (si0, si1, si2, si3)
    sg = (sg0, sg1)
    ss = (ss0, ss1)

    row0 = s * ROWS_PER_TEC

    @pl.when(s < NS - 1)
    def _():
      pltpu.sync_copy(z_hbm, acc_sh.at[pl.ds(row0, ROWS_PER_TEC)])

    @pl.when(s == NS - 1)
    def _():
      pltpu.sync_copy(z_hbm.at[pl.ds(0, LAST_ROWS)],
                      acc_sh.at[pl.ds((NS - 1) * ROWS_PER_TEC, LAST_ROWS)])

    plsc.subcore_barrier()

    kbase = s * CPT

    def start_idx(j, m):
      pltpu.async_copy(e_hbm.at[kbase + j], idx_v.at[m], si[m])

    def wait_idx(m):
      pltpu.make_async_copy(e_hbm.at[0], idx_v.at[m], si[m]).wait()

    def start_gather(m, b):
      pltpu.async_copy(x_hbm.at[c].at[idx_v.at[m].at[0]], rows_v.at[b],
                       sg[b])

    def wait_gather(b):
      pltpu.make_async_copy(x_hbm.at[c].at[idx_v.at[0].at[0]],
                            rows_v.at[b], sg[b]).wait()

    def start_scatter(m, b):
      pltpu.async_copy(rows_v.at[b], acc_sh.at[idx_v.at[m].at[1]], ss[b],
                       add=True)

    def wait_scatter(b):
      pltpu.make_async_copy(rows_v.at[b], acc_sh.at[idx_v.at[0].at[1]],
                            ss[b]).wait()

    for m in range(NIB):
      start_idx(m, m)

    @pl.loop(0, CPT // NIB)
    def _(q):
      j0 = q * NIB
      for t in range(NIB):
        j = j0 + t
        b = t % NBUF
        m = t
        mp = (t + 2) % NIB

        if t < 2:
          @pl.when(q > 0)
          def _():
            wait_scatter(b)
            start_idx(j + 2, mp)
        else:
          @pl.when(q < CPT // NIB - 1)
          def _():
            wait_scatter(b)
            start_idx(j + 2, mp)

          @pl.when(q == CPT // NIB - 1)
          def _():
            wait_scatter(b)

        wait_idx(m)
        start_gather(m, b)
        wait_gather(b)
        start_scatter(m, b)

    wait_scatter(0)
    wait_scatter(1)

    plsc.subcore_barrier()

    @pl.when(s < NS - 1)
    def _():
      pltpu.sync_copy(acc_sh.at[pl.ds(row0, ROWS_PER_TEC)],
                      out_hbm.at[c].at[pl.ds(row0, ROWS_PER_TEC)])

    @pl.when(s == NS - 1)
    def _():
      pltpu.sync_copy(
          acc_sh.at[pl.ds((NS - 1) * ROWS_PER_TEC, LAST_OUT_ROWS)],
          out_hbm.at[c].at[pl.ds((NS - 1) * ROWS_PER_TEC, LAST_OUT_ROWS)])

  return seg_sum(x_st, edges, zrows)


BLK = 1000


def _tc_dense(u_st, x, W, gamma, beta):

  def body(u_ref, x_ref, w_ref, g_ref, b_ref, o_ref):
    dn = (((1,), (1,)), ((), ()))
    acc = lax.dot_general(u_ref[0], w_ref[:, :HALF], dn,
                          preferred_element_type=jnp.float32)
    acc = acc + lax.dot_general(u_ref[1], w_ref[:, HALF:], dn,
                                preferred_element_type=jnp.float32)
    h = jnp.maximum(acc, 0.0) + x_ref[...]
    mean = jnp.mean(h, axis=1, keepdims=True)
    d = h - mean
    var = jnp.mean(d * d, axis=1, keepdims=True)
    o_ref[...] = d * lax.rsqrt(var + 1e-5) * g_ref[...] + b_ref[...]

  return pl.pallas_call(
      body,
      grid=(N_NODES // BLK,),
      in_specs=[
          pl.BlockSpec((2, BLK, HALF), lambda i: (0, i, 0)),
          pl.BlockSpec((BLK, HIDDEN), lambda i: (i, 0)),
          pl.BlockSpec((HIDDEN, HIDDEN), lambda i: (0, 0)),
          pl.BlockSpec((1, HIDDEN), lambda i: (0, 0)),
          pl.BlockSpec((1, HIDDEN), lambda i: (0, 0)),
      ],
      out_specs=pl.BlockSpec((BLK, HIDDEN), lambda i: (i, 0)),
      out_shape=jax.ShapeDtypeStruct((N_NODES, HIDDEN), jnp.float32),
  )(u_st, x, W, gamma, beta)


def kernel(x, edge_index, W, gamma, beta):
  src = edge_index[0].astype(jnp.int32)
  dst = edge_index[1].astype(jnp.int32)
  npad = E_PAD - N_EDGES
  pad_ids = jnp.arange(npad, dtype=jnp.int32)
  src_p = jnp.concatenate([src, pad_ids % N_NODES]).reshape(NS * CPT, CH)
  dst_p = jnp.concatenate([dst, N_NODES + (pad_ids % N_JUNK)]
                          ).reshape(NS * CPT, CH)
  edges = jnp.stack([src_p, dst_p], axis=1)
  x_st = x.reshape(N_NODES, 2, HALF).transpose(1, 0, 2)
  zrows = jnp.zeros((ROWS_PER_TEC, HALF), jnp.float32)
  u_st = _sc_segment_sum(x_st, edges, zrows)
  return _tc_dense(u_st, x, W,
                   gamma.reshape(1, HIDDEN), beta.reshape(1, HIDDEN))

# --- scband reference (transcript-rebuilt; emitter-appended) ---
"""Pipeline reference for scband-graph-convolution-45397804319020 (READ-ONLY COPY).

The authoritative reference and input builder live on the scoring server;
editing this copy changes nothing except your own understanding.
"""

import jax, jax.numpy as jnp
import numpy as np

N_NODES = 10000
HIDDEN = 256
N_EDGES = 160000

def setup_inputs(seed: int = 0) -> dict:
    key = jax.random.key(seed)
    k1, k2, k3 = jax.random.split(key, 3)
    x = jax.random.normal(k1, (N_NODES, HIDDEN), dtype=jnp.float32)
    edge_index = jax.random.randint(k2, (2, N_EDGES), 0, N_NODES, dtype=jnp.int64)
    # nn.Linear(hidden, hidden, bias=False) weight: [out, in]
    bound = 1.0 / np.sqrt(HIDDEN)
    W = jax.random.uniform(k3, (HIDDEN, HIDDEN), dtype=jnp.float32, minval=-bound, maxval=bound)
    gamma = jnp.ones((HIDDEN,), dtype=jnp.float32)
    beta = jnp.zeros((HIDDEN,), dtype=jnp.float32)
    return {"x": x, "edge_index": edge_index, "W": W, "gamma": gamma, "beta": beta}

def _layer_norm(h, gamma, beta, eps=1e-5):
    mean = jnp.mean(h, axis=-1, keepdims=True)
    var = jnp.mean(jnp.square(h - mean), axis=-1, keepdims=True)
    return (h - mean) / jnp.sqrt(var + eps) * gamma + beta

def reference(x, edge_index, W, gamma, beta):
    h0 = x
    src = edge_index[0]
    dst = edge_index[1]
    # graph.update_all(copy_u('h','m'), sum('m','u_')) : sum of source features into dst nodes
    msgs = jnp.take(x, src, axis=0)
    u = jax.ops.segment_sum(msgs, dst, num_segments=N_NODES)
    # act(linear(u_)) + h0
    h = jax.nn.relu(u @ W.T) + h0
    h = _layer_norm(h, gamma, beta)
    # F.dropout with training=False is identity
    return h

if __name__ == "__main__":
    import jax
    _d = setup_inputs()
    print(jax.jit(kernel)(*tuple(_d.values())))

</pallas_src>

<mosaic_0001>
#map = affine_map<(d0, d1) -> (0, 0, 0)>
#map1 = affine_map<(d0, d1) -> (0, 0)>
module attributes {stable_mosaic.version = 14 : i64} {
  func.func @seg_sum(%arg0: i32, %arg1: i32, %arg2: memref<2x10000x128xf32, #tpu.memory_space<hbm>>, %arg3: memref<1280x2x128xi32, #tpu.memory_space<hbm>>, %arg4: memref<632x128xf32, #tpu.memory_space<hbm>>, %arg5: memref<2x10000x128xf32, #tpu.memory_space<hbm>>, %arg6: memref<4x2x128xi32, #tpu.memory_space<vmem>>, %arg7: memref<2x128x128xf32, #tpu.memory_space<vmem>>, %arg8: memref<10008x128xf32, #tpu.memory_space<vmem_shared>>, %arg9: memref<!tpu.dma_semaphore, #tpu.memory_space<semaphore_mem>>, %arg10: memref<!tpu.dma_semaphore, #tpu.memory_space<semaphore_mem>>, %arg11: memref<!tpu.dma_semaphore, #tpu.memory_space<semaphore_mem>>, %arg12: memref<!tpu.dma_semaphore, #tpu.memory_space<semaphore_mem>>, %arg13: memref<!tpu.dma_semaphore, #tpu.memory_space<semaphore_mem>>, %arg14: memref<!tpu.dma_semaphore, #tpu.memory_space<semaphore_mem>>, %arg15: memref<!tpu.dma_semaphore, #tpu.memory_space<semaphore_mem>>, %arg16: memref<!tpu.dma_semaphore, #tpu.memory_space<semaphore_mem>>) attributes {dimension_semantics = [#tpu.dimension_semantics<core_parallel>, #tpu.dimension_semantics<subcore_parallel>], iteration_bounds = array<i64: 2, 16>, scalar_prefetch = 0 : i64, scratch_operands = 11 : i64, tpu.core_type = #tpu.core_type<sc_vector_subcore>, window_params = [{transform_indices = #map}, {transform_indices = #map}, {transform_indices = #map1}, {transform_indices = #map}]} {
    %mul3A = arith.constant 632 : i32
    %mul3A_0 = arith.muli %arg1, %mul3A : i32
    %lt3A = arith.constant 15 : i32
    %lt3A_1 = arith.cmpi slt, %arg1, %lt3A : i32
    %convert_element_type3A = arith.extui %lt3A_1 : i1 to i32
    %cond3A = arith.constant 0 : i32
    %cond3A_2 = arith.cmpi ne, %convert_element_type3A, %cond3A : i32
    scf.if %cond3A_2 {
      "tpu.region"() ({
        %run_scoped3A = tpu.sem_alloc : memref<!tpu.dma_semaphore, #tpu.memory_space<semaphore_mem>>
        %dma_start3A_131 = arith.constant 0 : i32
        %dma_start3A_132 = tpu.memref_slice %arg8[%mul3A_0, %dma_start3A_131] : memref<10008x128xf32, #tpu.memory_space<vmem_shared>> -> memref<632x128xf32, #tpu.memory_space<vmem_shared>>
        tpu.enqueue_dma source(%arg4 : memref<632x128xf32, #tpu.memory_space<hbm>>) target(%dma_start3A_132 : memref<632x128xf32, #tpu.memory_space<vmem_shared>>) target_semaphore(%run_scoped3A : memref<!tpu.dma_semaphore, #tpu.memory_space<semaphore_mem>>)
        %dma_wait3A_133 = arith.constant 0 : i32
        %dma_wait3A_134 = tpu.memref_slice %arg8[%mul3A_0, %dma_wait3A_133] : memref<10008x128xf32, #tpu.memory_space<vmem_shared>> -> memref<632x128xf32, #tpu.memory_space<vmem_shared>>
        tpu.wait_dma2 semaphore(%run_scoped3A : memref<!tpu.dma_semaphore, #tpu.memory_space<semaphore_mem>>) src(%arg4 : memref<632x128xf32, #tpu.memory_space<hbm>>) dst(%dma_wait3A_134 : memref<632x128xf32, #tpu.memory_space<vmem_shared>>)
        tpu.yield
      }) : () -> ()
    } else {
    }
    %eq3A = arith.constant 15 : i32
    %eq3A_3 = arith.cmpi eq, %arg1, %eq3A : i32
    %convert_element_type3A_4 = arith.extui %eq3A_3 : i1 to i32
    %cond3A_5 = arith.constant 0 : i32
    %cond3A_6 = arith.cmpi ne, %convert_element_type3A_4, %cond3A_5 : i32
    scf.if %cond3A_6 {
      "tpu.region"() ({
        %run_scoped3A = tpu.sem_alloc : memref<!tpu.dma_semaphore, #tpu.memory_space<semaphore_mem>>
        %dma_start3A_131 = arith.constant 9480 : i32
        %dma_start3A_132 = arith.constant 0 : i32
        %dma_start3A_133 = tpu.memref_slice %arg8[%dma_start3A_131, %dma_start3A_132] : memref<10008x128xf32, #tpu.memory_space<vmem_shared>> -> memref<528x128xf32, #tpu.memory_space<vmem_shared>>
        %dma_start3A_134 = arith.constant 0 : i32
        %dma_start3A_135 = arith.constant 0 : i32
        %dma_start3A_136 = tpu.memref_slice %arg4[%dma_start3A_134, %dma_start3A_135] : memref<632x128xf32, #tpu.memory_space<hbm>> -> memref<528x128xf32, #tpu.memory_space<hbm>>
        tpu.enqueue_dma source(%dma_start3A_136 : memref<528x128xf32, #tpu.memory_space<hbm>>) target(%dma_start3A_133 : memref<528x128xf32, #tpu.memory_space<vmem_shared>>) target_semaphore(%run_scoped3A : memref<!tpu.dma_semaphore, #tpu.memory_space<semaphore_mem>>)
        %dma_wait3A_137 = arith.constant 9480 : i32
        %dma_wait3A_138 = arith.constant 0 : i32
        %dma_wait3A_139 = tpu.memref_slice %arg8[%dma_wait3A_137, %dma_wait3A_138] : memref<10008x128xf32, #tpu.memory_space<vmem_shared>> -> memref<528x128xf32, #tpu.memory_space<vmem_shared>>
        %dma_wait3A_140 = arith.constant 0 : i32
        %dma_wait3A_141 = arith.constant 0 : i32
        %dma_wait3A_142 = tpu.memref_slice %arg4[%dma_wait3A_140, %dma_wait3A_141] : memref<632x128xf32, #tpu.memory_space<hbm>> -> memref<528x128xf32, #tpu.memory_space<hbm>>
        tpu.wait_dma2 semaphore(%run_scoped3A : memref<!tpu.dma_semaphore, #tpu.memory_space<semaphore_mem>>) src(%dma_wait3A_142 : memref<528x128xf32, #tpu.memory_space<hbm>>) dst(%dma_wait3A_139 : memref<528x128xf32, #tpu.memory_space<vmem_shared>>)
        tpu.yield
      }) : () -> ()
    } else {
    }
    %barrier3A = arith.constant 0 : index
    tpu.barrier barrier_id(%barrier3A)
    %mul3A_7 = arith.constant 80 : i32
    %mul3A_8 = arith.muli %arg1, %mul3A_7 : i32
    %add3A = arith.constant 0 : i32
    %add3A_9 = arith.addi %mul3A_8, %add3A : i32
    %dma_start3A = arith.constant 0 : i32
    %dma_start3A_10 = arith.constant 0 : i32
    %dma_start3A_11 = arith.constant 0 : i32
    %dma_start3A_12 = tpu.memref_slice %arg6[%dma_start3A, %dma_start3A_10, %dma_start3A_11] : memref<4x2x128xi32, #tpu.memory_space<vmem>> -> memref<1x2x128xi32, #tpu.memory_space<vmem>>
    %dma_start3A_13 = tpu.memref_squeeze %dma_start3A_12 : memref<1x2x128xi32, #tpu.memory_space<vmem>> -> memref<2x128xi32, #tpu.memory_space<vmem>>
    %dma_start3A_14 = arith.constant 0 : i32
    %dma_start3A_15 = arith.constant 0 : i32
    %dma_start3A_16 = tpu.memref_slice %arg3[%add3A_9, %dma_start3A_14, %dma_start3A_15] : memref<1280x2x128xi32, #tpu.memory_space<hbm>> -> memref<1x2x128xi32, #tpu.memory_space<hbm>>
    %dma_start3A_17 = tpu.memref_squeeze %dma_start3A_16 : memref<1x2x128xi32, #tpu.memory_space<hbm>> -> memref<2x128xi32, #tpu.memory_space<hbm>>
    %dma_start3A_18 = arith.constant 0 : i32
    %dma_start3A_19 = arith.constant 0 : i32
    %dma_start3A_20 = tpu.memref_slice %arg6[%dma_start3A, %dma_start3A_18, %dma_start3A_19] : memref<4x2x128xi32, #tpu.memory_space<vmem>> -> memref<1x2x128xi32, #tpu.memory_space<vmem>>
    %dma_start3A_21 = tpu.memref_squeeze %dma_start3A_20 : memref<1x2x128xi32, #tpu.memory_space<vmem>> -> memref<2x128xi32, #tpu.memory_space<vmem>>
    %dma_start3A_22 = arith.constant 0 : i32
    %dma_start3A_23 = arith.constant 0 : i32
    %dma_start3A_24 = tpu.memref_slice %arg3[%add3A_9, %dma_start3A_22, %dma_start3A_23] : memref<1280x2x128xi32, #tpu.memory_space<hbm>> -> memref<1x2x128xi32, #tpu.memory_space<hbm>>
    %dma_start3A_25 = tpu.memref_squeeze %dma_start3A_24 : memref<1x2x128xi32, #tpu.memory_space<hbm>> -> memref<2x128xi32, #tpu.memory_space<hbm>>
    tpu.enqueue_dma source(%dma_start3A_25 : memref<2x128xi32, #tpu.memory_space<hbm>>) target(%dma_start3A_21 : memref<2x128xi32, #tpu.memory_space<vmem>>) target_semaphore(%arg9 : memref<!tpu.dma_semaphore, #tpu.memory_space<semaphore_mem>>)
    %add3A_26 = arith.constant 1 : i32
    %add3A_27 = arith.addi %mul3A_8, %add3A_26 : i32
    %dma_start3A_28 = arith.constant 1 : i32
    %dma_start3A_29 = arith.constant 0 : i32
    %dma_start3A_30 = arith.constant 0 : i32
    %dma_start3A_31 = tpu.memref_slice %arg6[%dma_start3A_28, %dma_start3A_29, %dma_start3A_30] : memref<4x2x128xi32, #tpu.memory_space<vmem>> -> memref<1x2x128xi32, #tpu.memory_space<vmem>>
    %dma_start3A_32 = tpu.memref_squeeze %dma_start3A_31 : memref<1x2x128xi32, #tpu.memory_space<vmem>> -> memref<2x128xi32, #tpu.memory_space<vmem>>
    %dma_start3A_33 = arith.constant 0 : i32
    %dma_start3A_34 = arith.constant 0 : i32
    %dma_start3A_35 = tpu.memref_slice %arg3[%add3A_27, %dma_start3A_33, %dma_start3A_34] : memref<1280x2x128xi32, #tpu.memory_space<hbm>> -> memref<1x2x128xi32, #tpu.memory_space<hbm>>
    %dma_start3A_36 = tpu.memref_squeeze %dma_start3A_35 : memref<1x2x128xi32, #tpu.memory_space<hbm>> -> memref<2x128xi32, #tpu.memory_space<hbm>>
    %dma_start3A_37 = arith.constant 0 : i32
    %dma_start3A_38 = arith.constant 0 : i32
    %dma_start3A_39 = tpu.memref_slice %arg6[%dma_start3A_28, %dma_start3A_37, %dma_start3A_38] : memref<4x2x128xi32, #tpu.memory_space<vmem>> -> memref<1x2x128xi32, #tpu.memory_space<vmem>>
    %dma_start3A_40 = tpu.memref_squeeze %dma_start3A_39 : memref<1x2x128xi32, #tpu.memory_space<vmem>> -> memref<2x128xi32, #tpu.memory_space<vmem>>
    %dma_start3A_41 = arith.constant 0 : i32
    %dma_start3A_42 = arith.constant 0 : i32
    %dma_start3A_43 = tpu.memref_slice %arg3[%add3A_27, %dma_start3A_41, %dma_start3A_42] : memref<1280x2x128xi32, #tpu.memory_space<hbm>> -> memref<1x2x128xi32, #tpu.memory_space<hbm>>
    %dma_start3A_44 = tpu.memref_squeeze %dma_start3A_43 : memref<1x2x128xi32, #tpu.memory_space<hbm>> -> memref<2x128xi32, #tpu.memory_space<hbm>>
    tpu.enqueue_dma source(%dma_start3A_44 : memref<2x128xi32, #tpu.memory_space<hbm>>) target(%dma_start3A_40 : memref<2x128xi32, #tpu.memory_space<vmem>>) target_semaphore(%arg10 : memref<!tpu.dma_semaphore, #tpu.memory_space<semaphore_mem>>)
    %add3A_45 = arith.constant 2 : i32
    %add3A_46 = arith.addi %mul3A_8, %add3A_45 : i32
    %dma_start3A_47 = arith.constant 2 : i32
    %dma_start3A_48 = arith.constant 0 : i32
    %dma_start3A_49 = arith.constant 0 : i32
    %dma_start3A_50 = tpu.memref_slice %arg6[%dma_start3A_47, %dma_start3A_48, %dma_start3A_49] : memref<4x2x128xi32, #tpu.memory_space<vmem>> -> memref<1x2x128xi32, #tpu.memory_space<vmem>>
    %dma_start3A_51 = tpu.memref_squeeze %dma_start3A_50 : memref<1x2x128xi32, #tpu.memory_space<vmem>> -> memref<2x128xi32, #tpu.memory_space<vmem>>
    %dma_start3A_52 = arith.constant 0 : i32
    %dma_start3A_53 = arith.constant 0 : i32
    %dma_start3A_54 = tpu.memref_slice %arg3[%add3A_46, %dma_start3A_52, %dma_start3A_53] : memref<1280x2x128xi32, #tpu.memory_space<hbm>> -> memref<1x2x128xi32, #tpu.memory_space<hbm>>
    %dma_start3A_55 = tpu.memref_squeeze %dma_start3A_54 : memref<1x2x128xi32, #tpu.memory_space<hbm>> -> memref<2x128xi32, #tpu.memory_space<hbm>>
    %dma_start3A_56 = arith.constant 0 : i32
    %dma_start3A_57 = arith.constant 0 : i32
    %dma_start3A_58 = tpu.memref_slice %arg6[%dma_start3A_47, %dma_start3A_56, %dma_start3A_57] : memref<4x2x128xi32, #tpu.memory_space<vmem>> -> memref<1x2x128xi32, #tpu.memory_space<vmem>>
    %dma_start3A_59 = tpu.memref_squeeze %dma_start3A_58 : memref<1x2x128xi32, #tpu.memory_space<vmem>> -> memref<2x128xi32, #tpu.memory_space<vmem>>
    %dma_start3A_60 = arith.constant 0 : i32
    %dma_start3A_61 = arith.constant 0 : i32
    %dma_start3A_62 = tpu.memref_slice %arg3[%add3A_46, %dma_start3A_60, %dma_start3A_61] : memref<1280x2x128xi32, #tpu.memory_space<hbm>> -> memref<1x2x128xi32, #tpu.memory_space<hbm>>
    %dma_start3A_63 = tpu.memref_squeeze %dma_start3A_62 : memref<1x2x128xi32, #tpu.memory_space<hbm>> -> memref<2x128xi32, #tpu.memory_space<hbm>>
    tpu.enqueue_dma source(%dma_start3A_63 : memref<2x128xi32, #tpu.memory_space<hbm>>) target(%dma_start3A_59 : memref<2x128xi32, #tpu.memory_space<vmem>>) target_semaphore(%arg11 : memref<!tpu.dma_semaphore, #tpu.memory_space<semaphore_mem>>)
    %add3A_64 = arith.constant 3 : i32
    %add3A_65 = arith.addi %mul3A_8, %add3A_64 : i32
    %dma_start3A_66 = arith.constant 3 : i32
    %dma_start3A_67 = arith.constant 0 : i32
    %dma_start3A_68 = arith.constant 0 : i32
    %dma_start3A_69 = tpu.memref_slice %arg6[%dma_start3A_66, %dma_start3A_67, %dma_start3A_68] : memref<4x2x128xi32, #tpu.memory_space<vmem>> -> memref<1x2x128xi32, #tpu.memory_space<vmem>>
    %dma_start3A_70 = tpu.memref_squeeze %dma_start3A_69 : memref<1x2x128xi32, #tpu.memory_space<vmem>> -> memref<2x128xi32, #tpu.memory_space<vmem>>
    %dma_start3A_71 = arith.constant 0 : i32
    %dma_start3A_72 = arith.constant 0 : i32
    %dma_start3A_73 = tpu.memref_slice %arg3[%add3A_65, %dma_start3A_71, %dma_start3A_72] : memref<1280x2x128xi32, #tpu.memory_space<hbm>> -> memref<1x2x128xi32, #tpu.memory_space<hbm>>
    %dma_start3A_74 = tpu.memref_squeeze %dma_start3A_73 : memref<1x2x128xi32, #tpu.memory_space<hbm>> -> memref<2x128xi32, #tpu.memory_space<hbm>>
    %dma_start3A_75 = arith.constant 0 : i32
    %dma_start3A_76 = arith.constant 0 : i32
    %dma_start3A_77 = tpu.memref_slice %arg6[%dma_start3A_66, %dma_start3A_75, %dma_start3A_76] : memref<4x2x128xi32, #tpu.memory_space<vmem>> -> memref<1x2x128xi32, #tpu.memory_space<vmem>>
    %dma_start3A_78 = tpu.memref_squeeze %dma_start3A_77 : memref<1x2x128xi32, #tpu.memory_space<vmem>> -> memref<2x128xi32, #tpu.memory_space<vmem>>
    %dma_start3A_79 = arith.constant 0 : i32
    %dma_start3A_80 = arith.constant 0 : i32
    %dma_start3A_81 = tpu.memref_slice %arg3[%add3A_65, %dma_start3A_79, %dma_start3A_80] : memref<1280x2x128xi32, #tpu.memory_space<hbm>> -> memref<1x2x128xi32, #tpu.memory_space<hbm>>
    %dma_start3A_82 = tpu.memref_squeeze %dma_start3A_81 : memref<1x2x128xi32, #tpu.memory_space<hbm>> -> memref<2x128xi32, #tpu.memory_space<hbm>>
    tpu.enqueue_dma source(%dma_start3A_82 : memref<2x128xi32, #tpu.memory_space<hbm>>) target(%dma_start3A_78 : memref<2x128xi32, #tpu.memory_space<vmem>>) target_semaphore(%arg12 : memref<!tpu.dma_semaphore, #tpu.memory_space<semaphore_mem>>)
    %scan3A = arith.constant 0 : i32
    %scan3A_83 = arith.constant 20 : i32
    %scan3A_84 = arith.addi %scan3A, %scan3A_83 : i32
    %scan3A_85 = arith.constant 1 : i32
    scf.for %scan3A_131 = %scan3A to %scan3A_84 step %scan3A_85  : i32 {
      %mul3A_132 = arith.constant 1 : i32
      %mul3A_133 = arith.muli %scan3A_131, %mul3A_132 : i32
      %add3A_134 = arith.constant 0 : i32
      %add3A_135 = arith.addi %add3A_134, %mul3A_133 : i32
      %mul3A_136 = arith.constant 4 : i32
      %mul3A_137 = arith.muli %add3A_135, %mul3A_136 : i32
      %add3A_138 = arith.constant 0 : i32
      %add3A_139 = arith.addi %mul3A_137, %add3A_138 : i32
      %gt3A = arith.constant 0 : i32
      %gt3A_140 = arith.cmpi sgt, %add3A_135, %gt3A : i32
      %convert_element_type3A_141 = arith.extui %gt3A_140 : i1 to i32
      %cond3A_142 = arith.constant 0 : i32
      %cond3A_143 = arith.cmpi ne, %convert_element_type3A_141, %cond3A_142 : i32
      scf.if %cond3A_143 {
        %dma_wait3A_483 = arith.constant 0 : i32
        %dma_wait3A_484 = arith.constant 0 : i32
        %dma_wait3A_485 = arith.constant 1 : i32
        %dma_wait3A_486 = arith.constant 0 : i32
        %dma_wait3A_487 = arith.constant 0 : i32
        %dma_wait3A_488 = tpu.memref_slice %arg7[%dma_wait3A_483, %dma_wait3A_486, %dma_wait3A_487] : memref<2x128x128xf32, #tpu.memory_space<vmem>> -> memref<1x128x128xf32, #tpu.memory_space<vmem>>
        %dma_wait3A_489 = tpu.memref_squeeze %dma_wait3A_488 : memref<1x128x128xf32, #tpu.memory_space<vmem>> -> memref<128x128xf32, #tpu.memory_space<vmem>>
        %dma_wait3A_490 = arith.constant 0 : i32
        %dma_wait3A_491 = arith.constant 0 : i32
        %dma_wait3A_492 = tpu.memref_slice %arg6[%dma_wait3A_484, %dma_wait3A_490, %dma_wait3A_491] : memref<4x2x128xi32, #tpu.memory_space<vmem>> -> memref<1x2x128xi32, #tpu.memory_space<vmem>>
        %dma_wait3A_493 = tpu.memref_squeeze %dma_wait3A_492 : memref<1x2x128xi32, #tpu.memory_space<vmem>> -> memref<2x128xi32, #tpu.memory_space<vmem>>
        %dma_wait3A_494 = arith.constant 0 : i32
        %dma_wait3A_495 = tpu.memref_slice %dma_wait3A_493[%dma_wait3A_485, %dma_wait3A_494] : memref<2x128xi32, #tpu.memory_space<vmem>> -> memref<1x128xi32, #tpu.memory_space<vmem>>
        %dma_wait3A_496 = tpu.memref_squeeze %dma_wait3A_495 : memref<1x128xi32, #tpu.memory_space<vmem>> -> memref<128xi32, #tpu.memory_space<vmem>>
        %dma_wait3A_497 = arith.constant 0 : i32
        %dma_wait3A_498 = arith.constant 0 : i32
        %dma_wait3A_499 = tpu.memref_slice %arg8[%dma_wait3A_497, %dma_wait3A_498] : memref<10008x128xf32, #tpu.memory_space<vmem_shared>> -> memref<10008x128xf32, #tpu.memory_space<vmem_shared>>
        tpu.wait_indirect_dma semaphore(%arg15 : memref<!tpu.dma_semaphore, #tpu.memory_space<semaphore_mem>>) src(%dma_wait3A_489 : memref<128x128xf32, #tpu.memory_space<vmem>>) dst(%dma_wait3A_499 : memref<10008x128xf32, #tpu.memory_space<vmem_shared>>)
        %add3A_500 = arith.constant 2 : i32
        %add3A_501 = arith.addi %add3A_139, %add3A_500 : i32
        %add3A_502 = arith.addi %mul3A_8, %add3A_501 : i32
        %dma_start3A_503 = arith.constant 2 : i32
        %dma_start3A_504 = arith.constant 0 : i32
        %dma_start3A_505 = arith.constant 0 : i32
        %dma_start3A_506 = tpu.memref_slice %arg6[%dma_start3A_503, %dma_start3A_504, %dma_start3A_505] : memref<4x2x128xi32, #tpu.memory_space<vmem>> -> memref<1x2x128xi32, #tpu.memory_space<vmem>>
        %dma_start3A_507 = tpu.memref_squeeze %dma_start3A_506 : memref<1x2x128xi32, #tpu.memory_space<vmem>> -> memref<2x128xi32, #tpu.memory_space<vmem>>
        %dma_start3A_508 = arith.constant 0 : i32
        %dma_start3A_509 = arith.constant 0 : i32
        %dma_start3A_510 = tpu.memref_slice %arg3[%add3A_502, %dma_start3A_508, %dma_start3A_509] : memref<1280x2x128xi32, #tpu.memory_space<hbm>> -> memref<1x2x128xi32, #tpu.memory_space<hbm>>
        %dma_start3A_511 = tpu.memref_squeeze %dma_start3A_510 : memref<1x2x128xi32, #tpu.memory_space<hbm>> -> memref<2x128xi32, #tpu.memory_space<hbm>>
        %dma_start3A_512 = arith.constant 0 : i32
        %dma_start3A_513 = arith.constant 0 : i32
        %dma_start3A_514 = tpu.memref_slice %arg6[%dma_start3A_503, %dma_start3A_512, %dma_start3A_513] : memref<4x2x128xi32, #tpu.memory_space<vmem>> -> memref<1x2x128xi32, #tpu.memory_space<vmem>>
        %dma_start3A_515 = tpu.memref_squeeze %dma_start3A_514 : memref<1x2x128xi32, #tpu.memory_space<vmem>> -> memref<2x128xi32, #tpu.memory_space<vmem>>
        %dma_start3A_516 = arith.constant 0 : i32
        %dma_start3A_517 = arith.constant 0 : i32
        %dma_start3A_518 = tpu.memref_slice %arg3[%add3A_502, %dma_start3A_516, %dma_start3A_517] : memref<1280x2x128xi32, #tpu.memory_space<hbm>> -> memref<1x2x128xi32, #tpu.memory_space<hbm>>
        %dma_start3A_519 = tpu.memref_squeeze %dma_start3A_518 : memref<1x2x128xi32, #tpu.memory_space<hbm>> -> memref<2x128xi32, #tpu.memory_space<hbm>>
        tpu.enqueue_dma source(%dma_start3A_519 : memref<2x128xi32, #tpu.memory_space<hbm>>) target(%dma_start3A_515 : memref<2x128xi32, #tpu.memory_space<vmem>>) target_semaphore(%arg11 : memref<!tpu.dma_semaphore, #tpu.memory_space<semaphore_mem>>)
      } else {
      }
      %dma_wait3A_144 = arith.constant 0 : i32
      %dma_wait3A_145 = arith.constant 0 : i32
      %dma_wait3A_146 = arith.constant 0 : i32
      %dma_wait3A_147 = arith.constant 0 : i32
      %dma_wait3A_148 = tpu.memref_slice %arg6[%dma_wait3A_145, %dma_wait3A_146, %dma_wait3A_147] : memref<4x2x128xi32, #tpu.memory_space<vmem>> -> memref<1x2x128xi32, #tpu.memory_space<vmem>>
      %dma_wait3A_149 = tpu.memref_squeeze %dma_wait3A_148 : memref<1x2x128xi32, #tpu.memory_space<vmem>> -> memref<2x128xi32, #tpu.memory_space<vmem>>
      %dma_wait3A_150 = arith.constant 0 : i32
      %dma_wait3A_151 = arith.constant 0 : i32
      %dma_wait3A_152 = tpu.memref_slice %arg3[%dma_wait3A_144, %dma_wait3A_150, %dma_wait3A_151] : memref<1280x2x128xi32, #tpu.memory_space<hbm>> -> memref<1x2x128xi32, #tpu.memory_space<hbm>>
      %dma_wait3A_153 = tpu.memref_squeeze %dma_wait3A_152 : memref<1x2x128xi32, #tpu.memory_space<hbm>> -> memref<2x128xi32, #tpu.memory_space<hbm>>
      %dma_wait3A_154 = arith.constant 0 : i32
      %dma_wait3A_155 = arith.constant 0 : i32
      %dma_wait3A_156 = tpu.memref_slice %arg6[%dma_wait3A_145, %dma_wait3A_154, %dma_wait3A_155] : memref<4x2x128xi32, #tpu.memory_space<vmem>> -> memref<1x2x128xi32, #tpu.memory_space<vmem>>
      %dma_wait3A_157 = tpu.memref_squeeze %dma_wait3A_156 : memref<1x2x128xi32, #tpu.memory_space<vmem>> -> memref<2x128xi32, #tpu.memory_space<vmem>>
      %dma_wait3A_158 = arith.constant 0 : i32
      %dma_wait3A_159 = arith.constant 0 : i32
      %dma_wait3A_160 = tpu.memref_slice %arg3[%dma_wait3A_144, %dma_wait3A_158, %dma_wait3A_159] : memref<1280x2x128xi32, #tpu.memory_space<hbm>> -> memref<1x2x128xi32, #tpu.memory_space<hbm>>
      %dma_wait3A_161 = tpu.memref_squeeze %dma_wait3A_160 : memref<1x2x128xi32, #tpu.memory_space<hbm>> -> memref<2x128xi32, #tpu.memory_space<hbm>>
      tpu.wait_dma2 semaphore(%arg9 : memref<!tpu.dma_semaphore, #tpu.memory_space<semaphore_mem>>) src(%dma_wait3A_161 : memref<2x128xi32, #tpu.memory_space<hbm>>) dst(%dma_wait3A_157 : memref<2x128xi32, #tpu.memory_space<vmem>>)
      %dma_start3A_162 = arith.constant 0 : i32
      %dma_start3A_163 = arith.constant 0 : i32
      %dma_start3A_164 = arith.constant 0 : i32
      %dma_start3A_165 = arith.constant 0 : i32
      %dma_start3A_166 = arith.constant 0 : i32
      %dma_start3A_167 = tpu.memref_slice %arg7[%dma_start3A_164, %dma_start3A_165, %dma_start3A_166] : memref<2x128x128xf32, #tpu.memory_space<vmem>> -> memref<1x128x128xf32, #tpu.memory_space<vmem>>
      %dma_start3A_168 = tpu.memref_squeeze %dma_start3A_167 : memref<1x128x128xf32, #tpu.memory_space<vmem>> -> memref<128x128xf32, #tpu.memory_space<vmem>>
      %dma_start3A_169 = arith.constant 0 : i32
      %dma_start3A_170 = arith.constant 0 : i32
      %dma_start3A_171 = tpu.memref_slice %arg6[%dma_start3A_162, %dma_start3A_169, %dma_start3A_170] : memref<4x2x128xi32, #tpu.memory_space<vmem>> -> memref<1x2x128xi32, #tpu.memory_space<vmem>>
      %dma_start3A_172 = tpu.memref_squeeze %dma_start3A_171 : memref<1x2x128xi32, #tpu.memory_space<vmem>> -> memref<2x128xi32, #tpu.memory_space<vmem>>
      %dma_start3A_173 = arith.constant 0 : i32
      %dma_start3A_174 = tpu.memref_slice %dma_start3A_172[%dma_start3A_163, %dma_start3A_173] : memref<2x128xi32, #tpu.memory_space<vmem>> -> memref<1x128xi32, #tpu.memory_space<vmem>>
      %dma_start3A_175 = tpu.memref_squeeze %dma_start3A_174 : memref<1x128xi32, #tpu.memory_space<vmem>> -> memref<128xi32, #tpu.memory_space<vmem>>
      %dma_start3A_176 = arith.constant 0 : i32
      %dma_start3A_177 = arith.constant 0 : i32
      %dma_start3A_178 = tpu.memref_slice %arg2[%arg0, %dma_start3A_176, %dma_start3A_177] : memref<2x10000x128xf32, #tpu.memory_space<hbm>> -> memref<1x10000x128xf32, #tpu.memory_space<hbm>>
      %dma_start3A_179 = tpu.memref_squeeze %dma_start3A_178 : memref<1x10000x128xf32, #tpu.memory_space<hbm>> -> memref<10000x128xf32, #tpu.memory_space<hbm>>
      %dma_start3A_180 = arith.constant 0 : i32
      %dma_start3A_181 = arith.constant 0 : i32
      %dma_start3A_182 = tpu.memref_slice %dma_start3A_179[%dma_start3A_180, %dma_start3A_181] : memref<10000x128xf32, #tpu.memory_space<hbm>> -> memref<10000x128xf32, #tpu.memory_space<hbm>>
      tpu.enqueue_indirect_dma source(%dma_start3A_182 : memref<10000x128xf32, #tpu.memory_space<hbm>>) target(%dma_start3A_168 : memref<128x128xf32, #tpu.memory_space<vmem>>) offsets(%dma_start3A_175 : memref<128xi32, #tpu.memory_space<vmem>>) semaphore(%arg13 : memref<!tpu.dma_semaphore, #tpu.memory_space<semaphore_mem>>)
      %dma_wait3A_183 = arith.constant 0 : i32
      %dma_wait3A_184 = arith.constant 0 : i32
      %dma_wait3A_185 = arith.constant 0 : i32
      %dma_wait3A_186 = arith.constant 0 : i32
      %dma_wait3A_187 = arith.constant 0 : i32
      %dma_wait3A_188 = tpu.memref_slice %arg7[%dma_wait3A_185, %dma_wait3A_186, %dma_wait3A_187] : memref<2x128x128xf32, #tpu.memory_space<vmem>> -> memref<1x128x128xf32, #tpu.memory_space<vmem>>
      %dma_wait3A_189 = tpu.memref_squeeze %dma_wait3A_188 : memref<1x128x128xf32, #tpu.memory_space<vmem>> -> memref<128x128xf32, #tpu.memory_space<vmem>>
      %dma_wait3A_190 = arith.constant 0 : i32
      %dma_wait3A_191 = arith.constant 0 : i32
      %dma_wait3A_192 = tpu.memref_slice %arg6[%dma_wait3A_183, %dma_wait3A_190, %dma_wait3A_191] : memref<4x2x128xi32, #tpu.memory_space<vmem>> -> memref<1x2x128xi32, #tpu.memory_space<vmem>>
      %dma_wait3A_193 = tpu.memref_squeeze %dma_wait3A_192 : memref<1x2x128xi32, #tpu.memory_space<vmem>> -> memref<2x128xi32, #tpu.memory_space<vmem>>
      %dma_wait3A_194 = arith.constant 0 : i32
      %dma_wait3A_195 = tpu.memref_slice %dma_wait3A_193[%dma_wait3A_184, %dma_wait3A_194] : memref<2x128xi32, #tpu.memory_space<vmem>> -> memref<1x128xi32, #tpu.memory_space<vmem>>
      %dma_wait3A_196 = tpu.memref_squeeze %dma_wait3A_195 : memref<1x128xi32, #tpu.memory_space<vmem>> -> memref<128xi32, #tpu.memory_space<vmem>>
      %dma_wait3A_197 = arith.constant 0 : i32
      %dma_wait3A_198 = arith.constant 0 : i32
      %dma_wait3A_199 = tpu.memref_slice %arg2[%arg0, %dma_wait3A_197, %dma_wait3A_198] : memref<2x10000x128xf32, #tpu.memory_space<hbm>> -> memref<1x10000x128xf32, #tpu.memory_space<hbm>>
      %dma_wait3A_200 = tpu.memref_squeeze %dma_wait3A_199 : memref<1x10000x128xf32, #tpu.memory_space<hbm>> -> memref<10000x128xf32, #tpu.memory_space<hbm>>
      %dma_wait3A_201 = arith.constant 0 : i32
      %dma_wait3A_202 = arith.constant 0 : i32
      %dma_wait3A_203 = tpu.memref_slice %dma_wait3A_200[%dma_wait3A_201, %dma_wait3A_202] : memref<10000x128xf32, #tpu.memory_space<hbm>> -> memref<10000x128xf32, #tpu.memory_space<hbm>>
      tpu.wait_indirect_dma semaphore(%arg13 : memref<!tpu.dma_semaphore, #tpu.memory_space<semaphore_mem>>) src(%dma_wait3A_203 : memref<10000x128xf32, #tpu.memory_space<hbm>>) dst(%dma_wait3A_189 : memref<128x128xf32, #tpu.memory_space<vmem>>)
      %dma_start3A_204 = arith.constant 0 : i32
      %dma_start3A_205 = arith.constant 0 : i32
      %dma_start3A_206 = arith.constant 1 : i32
      %dma_start3A_207 = arith.constant 0 : i32
      %dma_start3A_208 = arith.constant 0 : i32
      %dma_start3A_209 = tpu.memref_slice %arg7[%dma_start3A_204, %dma_start3A_207, %dma_start3A_208] : memref<2x128x128xf32, #tpu.memory_space<vmem>> -> memref<1x128x128xf32, #tpu.memory_space<vmem>>
      %dma_start3A_210 = tpu.memref_squeeze %dma_start3A_209 : memref<1x128x128xf32, #tpu.memory_space<vmem>> -> memref<128x128xf32, #tpu.memory_space<vmem>>
      %dma_start3A_211 = arith.constant 0 : i32
      %dma_start3A_212 = arith.constant 0 : i32
      %dma_start3A_213 = tpu.memref_slice %arg6[%dma_start3A_205, %dma_start3A_211, %dma_start3A_212] : memref<4x2x128xi32, #tpu.memory_space<vmem>> -> memref<1x2x128xi32, #tpu.memory_space<vmem>>
      %dma_start3A_214 = tpu.memref_squeeze %dma_start3A_213 : memref<1x2x128xi32, #tpu.memory_space<vmem>> -> memref<2x128xi32, #tpu.memory_space<vmem>>
      %dma_start3A_215 = arith.constant 0 : i32
      %dma_start3A_216 = tpu.memref_slice %dma_start3A_214[%dma_start3A_206, %dma_start3A_215] : memref<2x128xi32, #tpu.memory_space<vmem>> -> memref<1x128xi32, #tpu.memory_space<vmem>>
      %dma_start3A_217 = tpu.memref_squeeze %dma_start3A_216 : memref<1x128xi32, #tpu.memory_space<vmem>> -> memref<128xi32, #tpu.memory_space<vmem>>
      %dma_start3A_218 = arith.constant 0 : i32
      %dma_start3A_219 = arith.constant 0 : i32
      %dma_start3A_220 = tpu.memref_slice %arg8[%dma_start3A_218, %dma_start3A_219] : memref<10008x128xf32, #tpu.memory_space<vmem_shared>> -> memref<10008x128xf32, #tpu.memory_space<vmem_shared>>
      tpu.enqueue_indirect_dma source(%dma_start3A_210 : memref<128x128xf32, #tpu.memory_space<vmem>>) target(%dma_start3A_220 : memref<10008x128xf32, #tpu.memory_space<vmem_shared>>) offsets(%dma_start3A_217 : memref<128xi32, #tpu.memory_space<vmem>>) semaphore(%arg15 : memref<!tpu.dma_semaphore, #tpu.memory_space<semaphore_mem>>) {add = true}
      %add3A_221 = arith.constant 1 : i32
      %add3A_222 = arith.addi %mul3A_137, %add3A_221 : i32
      %gt3A_223 = arith.constant 0 : i32
      %gt3A_224 = arith.cmpi sgt, %add3A_135, %gt3A_223 : i32
      %convert_element_type3A_225 = arith.extui %gt3A_224 : i1 to i32
      %cond3A_226 = arith.constant 0 : i32
      %cond3A_227 = arith.cmpi ne, %convert_element_type3A_225, %cond3A_226 : i32
      scf.if %cond3A_227 {
        %dma_wait3A_483 = arith.constant 1 : i32
        %dma_wait3A_484 = arith.constant 0 : i32
        %dma_wait3A_485 = arith.constant 1 : i32
        %dma_wait3A_486 = arith.constant 0 : i32
        %dma_wait3A_487 = arith.constant 0 : i32
        %dma_wait3A_488 = tpu.memref_slice %arg7[%dma_wait3A_483, %dma_wait3A_486, %dma_wait3A_487] : memref<2x128x128xf32, #tpu.memory_space<vmem>> -> memref<1x128x128xf32, #tpu.memory_space<vmem>>
        %dma_wait3A_489 = tpu.memref_squeeze %dma_wait3A_488 : memref<1x128x128xf32, #tpu.memory_space<vmem>> -> memref<128x128xf32, #tpu.memory_space<vmem>>
        %dma_wait3A_490 = arith.constant 0 : i32
        %dma_wait3A_491 = arith.constant 0 : i32
        %dma_wait3A_492 = tpu.memref_slice %arg6[%dma_wait3A_484, %dma_wait3A_490, %dma_wait3A_491] : memref<4x2x128xi32, #tpu.memory_space<vmem>> -> memref<1x2x128xi32, #tpu.memory_space<vmem>>
        %dma_wait3A_493 = tpu.memref_squeeze %dma_wait3A_492 : memref<1x2x128xi32, #tpu.memory_space<vmem>> -> memref<2x128xi32, #tpu.memory_space<vmem>>
        %dma_wait3A_494 = arith.constant 0 : i32
        %dma_wait3A_495 = tpu.memref_slice %dma_wait3A_493[%dma_wait3A_485, %dma_wait3A_494] : memref<2x128xi32, #tpu.memory_space<vmem>> -> memref<1x128xi32, #tpu.memory_space<vmem>>
        %dma_wait3A_496 = tpu.memref_squeeze %dma_wait3A_495 : memref<1x128xi32, #tpu.memory_space<vmem>> -> memref<128xi32, #tpu.memory_space<vmem>>
        %dma_wait3A_497 = arith.constant 0 : i32
        %dma_wait3A_498 = arith.constant 0 : i32
        %dma_wait3A_499 = tpu.memref_slice %arg8[%dma_wait3A_497, %dma_wait3A_498] : memref<10008x128xf32, #tpu.memory_space<vmem_shared>> -> memref<10008x128xf32, #tpu.memory_space<vmem_shared>>
        tpu.wait_indirect_dma semaphore(%arg16 : memref<!tpu.dma_semaphore, #tpu.memory_space<semaphore_mem>>) src(%dma_wait3A_489 : memref<128x128xf32, #tpu.memory_space<vmem>>) dst(%dma_wait3A_499 : memref<10008x128xf32, #tpu.memory_space<vmem_shared>>)
        %add3A_500 = arith.constant 2 : i32
        %add3A_501 = arith.addi %add3A_222, %add3A_500 : i32
        %add3A_502 = arith.addi %mul3A_8, %add3A_501 : i32
        %dma_start3A_503 = arith.constant 3 : i32
        %dma_start3A_504 = arith.constant 0 : i32
        %dma_start3A_505 = arith.constant 0 : i32
        %dma_start3A_506 = tpu.memref_slice %arg6[%dma_start3A_503, %dma_start3A_504, %dma_start3A_505] : memref<4x2x128xi32, #tpu.memory_space<vmem>> -> memref<1x2x128xi32, #tpu.memory_space<vmem>>
        %dma_start3A_507 = tpu.memref_squeeze %dma_start3A_506 : memref<1x2x128xi32, #tpu.memory_space<vmem>> -> memref<2x128xi32, #tpu.memory_space<vmem>>
        %dma_start3A_508 = arith.constant 0 : i32
        %dma_start3A_509 = arith.constant 0 : i32
        %dma_start3A_510 = tpu.memref_slice %arg3[%add3A_502, %dma_start3A_508, %dma_start3A_509] : memref<1280x2x128xi32, #tpu.memory_space<hbm>> -> memref<1x2x128xi32, #tpu.memory_space<hbm>>
        %dma_start3A_511 = tpu.memref_squeeze %dma_start3A_510 : memref<1x2x128xi32, #tpu.memory_space<hbm>> -> memref<2x128xi32, #tpu.memory_space<hbm>>
        %dma_start3A_512 = arith.constant 0 : i32
        %dma_start3A_513 = arith.constant 0 : i32
        %dma_start3A_514 = tpu.memref_slice %arg6[%dma_start3A_503, %dma_start3A_512, %dma_start3A_513] : memref<4x2x128xi32, #tpu.memory_space<vmem>> -> memref<1x2x128xi32, #tpu.memory_space<vmem>>
        %dma_start3A_515 = tpu.memref_squeeze %dma_start3A_514 : memref<1x2x128xi32, #tpu.memory_space<vmem>> -> memref<2x128xi32, #tpu.memory_space<vmem>>
        %dma_start3A_516 = arith.constant 0 : i32
        %dma_start3A_517 = arith.constant 0 : i32
        %dma_start3A_518 = tpu.memref_slice %arg3[%add3A_502, %dma_start3A_516, %dma_start3A_517] : memref<1280x2x128xi32, #tpu.memory_space<hbm>> -> memref<1x2x128xi32, #tpu.memory_space<hbm>>
        %dma_start3A_519 = tpu.memref_squeeze %dma_start3A_518 : memref<1x2x128xi32, #tpu.memory_space<hbm>> -> memref<2x128xi32, #tpu.memory_space<hbm>>
        tpu.enqueue_dma source(%dma_start3A_519 : memref<2x128xi32, #tpu.memory_space<hbm>>) target(%dma_start3A_515 : memref<2x128xi32, #tpu.memory_space<vmem>>) target_semaphore(%arg12 : memref<!tpu.dma_semaphore, #tpu.memory_space<semaphore_mem>>)
      } else {
      }
      %dma_wait3A_228 = arith.constant 0 : i32
      %dma_wait3A_229 = arith.constant 1 : i32
      %dma_wait3A_230 = arith.constant 0 : i32
      %dma_wait3A_231 = arith.constant 0 : i32
      %dma_wait3A_232 = tpu.memref_slice %arg6[%dma_wait3A_229, %dma_wait3A_230, %dma_wait3A_231] : memref<4x2x128xi32, #tpu.memory_space<vmem>> -> memref<1x2x128xi32, #tpu.memory_space<vmem>>
      %dma_wait3A_233 = tpu.memref_squeeze %dma_wait3A_232 : memref<1x2x128xi32, #tpu.memory_space<vmem>> -> memref<2x128xi32, #tpu.memory_space<vmem>>
      %dma_wait3A_234 = arith.constant 0 : i32
      %dma_wait3A_235 = arith.constant 0 : i32
      %dma_wait3A_236 = tpu.memref_slice %arg3[%dma_wait3A_228, %dma_wait3A_234, %dma_wait3A_235] : memref<1280x2x128xi32, #tpu.memory_space<hbm>> -> memref<1x2x128xi32, #tpu.memory_space<hbm>>
      %dma_wait3A_237 = tpu.memref_squeeze %dma_wait3A_236 : memref<1x2x128xi32, #tpu.memory_space<hbm>> -> memref<2x128xi32, #tpu.memory_space<hbm>>
      %dma_wait3A_238 = arith.constant 0 : i32
      %dma_wait3A_239 = arith.constant 0 : i32
      %dma_wait3A_240 = tpu.memref_slice %arg6[%dma_wait3A_229, %dma_wait3A_238, %dma_wait3A_239] : memref<4x2x128xi32, #tpu.memory_space<vmem>> -> memref<1x2x128xi32, #tpu.memory_space<vmem>>
      %dma_wait3A_241 = tpu.memref_squeeze %dma_wait3A_240 : memref<1x2x128xi32, #tpu.memory_space<vmem>> -> memref<2x128xi32, #tpu.memory_space<vmem>>
      %dma_wait3A_242 = arith.constant 0 : i32
      %dma_wait3A_243 = arith.constant 0 : i32
      %dma_wait3A_244 = tpu.memref_slice %arg3[%dma_wait3A_228, %dma_wait3A_242, %dma_wait3A_243] : memref<1280x2x128xi32, #tpu.memory_space<hbm>> -> memref<1x2x128xi32, #tpu.memory_space<hbm>>
      %dma_wait3A_245 = tpu.memref_squeeze %dma_wait3A_244 : memref<1x2x128xi32, #tpu.memory_space<hbm>> -> memref<2x128xi32, #tpu.memory_space<hbm>>
      tpu.wait_dma2 semaphore(%arg10 : memref<!tpu.dma_semaphore, #tpu.memory_space<semaphore_mem>>) src(%dma_wait3A_245 : memref<2x128xi32, #tpu.memory_space<hbm>>) dst(%dma_wait3A_241 : memref<2x128xi32, #tpu.memory_space<vmem>>)
      %dma_start3A_246 = arith.constant 1 : i32
      %dma_start3A_247 = arith.constant 0 : i32
      %dma_start3A_248 = arith.constant 1 : i32
      %dma_start3A_249 = arith.constant 0 : i32
      %dma_start3A_250 = arith.constant 0 : i32
      %dma_start3A_251 = tpu.memref_slice %arg7[%dma_start3A_248, %dma_start3A_249, %dma_start3A_250] : memref<2x128x128xf32, #tpu.memory_space<vmem>> -> memref<1x128x128xf32, #tpu.memory_space<vmem>>
      %dma_start3A_252 = tpu.memref_squeeze %dma_start3A_251 : memref<1x128x128xf32, #tpu.memory_space<vmem>> -> memref<128x128xf32, #tpu.memory_space<vmem>>
      %dma_start3A_253 = arith.constant 0 : i32
      %dma_start3A_254 = arith.constant 0 : i32
      %dma_start3A_255 = tpu.memref_slice %arg6[%dma_start3A_246, %dma_start3A_253, %dma_start3A_254] : memref<4x2x128xi32, #tpu.memory_space<vmem>> -> memref<1x2x128xi32, #tpu.memory_space<vmem>>
      %dma_start3A_256 = tpu.memref_squeeze %dma_start3A_255 : memref<1x2x128xi32, #tpu.memory_space<vmem>> -> memref<2x128xi32, #tpu.memory_space<vmem>>
      %dma_start3A_257 = arith.constant 0 : i32
      %dma_start3A_258 = tpu.memref_slice %dma_start3A_256[%dma_start3A_247, %dma_start3A_257] : memref<2x128xi32, #tpu.memory_space<vmem>> -> memref<1x128xi32, #tpu.memory_space<vmem>>
      %dma_start3A_259 = tpu.memref_squeeze %dma_start3A_258 : memref<1x128xi32, #tpu.memory_space<vmem>> -> memref<128xi32, #tpu.memory_space<vmem>>
      %dma_start3A_260 = arith.constant 0 : i32
      %dma_start3A_261 = arith.constant 0 : i32
      %dma_start3A_262 = tpu.memref_slice %arg2[%arg0, %dma_start3A_260, %dma_start3A_261] : memref<2x10000x128xf32, #tpu.memory_space<hbm>> -> memref<1x10000x128xf32, #tpu.memory_space<hbm>>
      %dma_start3A_263 = tpu.memref_squeeze %dma_start3A_262 : memref<1x10000x128xf32, #tpu.memory_space<hbm>> -> memref<10000x128xf32, #tpu.memory_space<hbm>>
      %dma_start3A_264 = arith.constant 0 : i32
      %dma_start3A_265 = arith.constant 0 : i32
      %dma_start3A_266 = tpu.memref_slice %dma_start3A_263[%dma_start3A_264, %dma_start3A_265] : memref<10000x128xf32, #tpu.memory_space<hbm>> -> memref<10000x128xf32, #tpu.memory_space<hbm>>
      tpu.enqueue_indirect_dma source(%dma_start3A_266 : memref<10000x128xf32, #tpu.memory_space<hbm>>) target(%dma_start3A_252 : memref<128x128xf32, #tpu.memory_space<vmem>>) offsets(%dma_start3A_259 : memref<128xi32, #tpu.memory_space<vmem>>) semaphore(%arg14 : memref<!tpu.dma_semaphore, #tpu.memory_space<semaphore_mem>>)
      %dma_wait3A_267 = arith.constant 0 : i32
      %dma_wait3A_268 = arith.constant 0 : i32
      %dma_wait3A_269 = arith.constant 1 : i32
      %dma_wait3A_270 = arith.constant 0 : i32
      %dma_wait3A_271 = arith.constant 0 : i32
      %dma_wait3A_272 = tpu.memref_slice %arg7[%dma_wait3A_269, %dma_wait3A_270, %dma_wait3A_271] : memref<2x128x128xf32, #tpu.memory_space<vmem>> -> memref<1x128x128xf32, #tpu.memory_space<vmem>>
      %dma_wait3A_273 = tpu.memref_squeeze %dma_wait3A_272 : memref<1x128x128xf32, #tpu.memory_space<vmem>> -> memref<128x128xf32, #tpu.memory_space<vmem>>
      %dma_wait3A_274 = arith.constant 0 : i32
      %dma_wait3A_275 = arith.constant 0 : i32
      %dma_wait3A_276 = tpu.memref_slice %arg6[%dma_wait3A_267, %dma_wait3A_274, %dma_wait3A_275] : memref<4x2x128xi32, #tpu.memory_space<vmem>> -> memref<1x2x128xi32, #tpu.memory_space<vmem>>
      %dma_wait3A_277 = tpu.memref_squeeze %dma_wait3A_276 : memref<1x2x128xi32, #tpu.memory_space<vmem>> -> memref<2x128xi32, #tpu.memory_space<vmem>>
      %dma_wait3A_278 = arith.constant 0 : i32
      %dma_wait3A_279 = tpu.memref_slice %dma_wait3A_277[%dma_wait3A_268, %dma_wait3A_278] : memref<2x128xi32, #tpu.memory_space<vmem>> -> memref<1x128xi32, #tpu.memory_space<vmem>>
      %dma_wait3A_280 = tpu.memref_squeeze %dma_wait3A_279 : memref<1x128xi32, #tpu.memory_space<vmem>> -> memref<128xi32, #tpu.memory_space<vmem>>
      %dma_wait3A_281 = arith.constant 0 : i32
      %dma_wait3A_282 = arith.constant 0 : i32
      %dma_wait3A_283 = tpu.memref_slice %arg2[%arg0, %dma_wait3A_281, %dma_wait3A_282] : memref<2x10000x128xf32, #tpu.memory_space<hbm>> -> memref<1x10000x128xf32, #tpu.memory_space<hbm>>
      %dma_wait3A_284 = tpu.memref_squeeze %dma_wait3A_283 : memref<1x10000x128xf32, #tpu.memory_space<hbm>> -> memref<10000x128xf32, #tpu.memory_space<hbm>>
      %dma_wait3A_285 = arith.constant 0 : i32
      %dma_wait3A_286 = arith.constant 0 : i32
      %dma_wait3A_287 = tpu.memref_slice %dma_wait3A_284[%dma_wait3A_285, %dma_wait3A_286] : memref<10000x128xf32, #tpu.memory_space<hbm>> -> memref<10000x128xf32, #tpu.memory_space<hbm>>
      tpu.wait_indirect_dma semaphore(%arg14 : memref<!tpu.dma_semaphore, #tpu.memory_space<semaphore_mem>>) src(%dma_wait3A_287 : memref<10000x128xf32, #tpu.memory_space<hbm>>) dst(%dma_wait3A_273 : memref<128x128xf32, #tpu.memory_space<vmem>>)
      %dma_start3A_288 = arith.constant 1 : i32
      %dma_start3A_289 = arith.constant 1 : i32
      %dma_start3A_290 = arith.constant 1 : i32
      %dma_start3A_291 = arith.constant 0 : i32
      %dma_start3A_292 = arith.constant 0 : i32
      %dma_start3A_293 = tpu.memref_slice %arg7[%dma_start3A_288, %dma_start3A_291, %dma_start3A_292] : memref<2x128x128xf32, #tpu.memory_space<vmem>> -> memref<1x128x128xf32, #tpu.memory_space<vmem>>
      %dma_start3A_294 = tpu.memref_squeeze %dma_start3A_293 : memref<1x128x128xf32, #tpu.memory_space<vmem>> -> memref<128x128xf32, #tpu.memory_space<vmem>>
      %dma_start3A_295 = arith.constant 0 : i32
      %dma_start3A_296 = arith.constant 0 : i32
      %dma_start3A_297 = tpu.memref_slice %arg6[%dma_start3A_289, %dma_start3A_295, %dma_start3A_296] : memref<4x2x128xi32, #tpu.memory_space<vmem>> -> memref<1x2x128xi32, #tpu.memory_space<vmem>>
      %dma_start3A_298 = tpu.memref_squeeze %dma_start3A_297 : memref<1x2x128xi32, #tpu.memory_space<vmem>> -> memref<2x128xi32, #tpu.memory_space<vmem>>
      %dma_start3A_299 = arith.constant 0 : i32
      %dma_start3A_300 = tpu.memref_slice %dma_start3A_298[%dma_start3A_290, %dma_start3A_299] : memref<2x128xi32, #tpu.memory_space<vmem>> -> memref<1x128xi32, #tpu.memory_space<vmem>>
      %dma_start3A_301 = tpu.memref_squeeze %dma_start3A_300 : memref<1x128xi32, #tpu.memory_space<vmem>> -> memref<128xi32, #tpu.memory_space<vmem>>
      %dma_start3A_302 = arith.constant 0 : i32
      %dma_start3A_303 = arith.constant 0 : i32
      %dma_start3A_304 = tpu.memref_slice %arg8[%dma_start3A_302, %dma_start3A_303] : memref<10008x128xf32, #tpu.memory_space<vmem_shared>> -> memref<10008x128xf32, #tpu.memory_space<vmem_shared>>
      tpu.enqueue_indirect_dma source(%dma_start3A_294 : memref<128x128xf32, #tpu.memory_space<vmem>>) target(%dma_start3A_304 : memref<10008x128xf32, #tpu.memory_space<vmem_shared>>) offsets(%dma_start3A_301 : memref<128xi32, #tpu.memory_space<vmem>>) semaphore(%arg16 : memref<!tpu.dma_semaphore, #tpu.memory_space<semaphore_mem>>) {add = true}
      %add3A_305 = arith.constant 2 : i32
      %add3A_306 = arith.addi %mul3A_137, %add3A_305 : i32
      %lt3A_307 = arith.constant 19 : i32
      %lt3A_308 = arith.cmpi slt, %add3A_135, %lt3A_307 : i32
      %convert_element_type3A_309 = arith.extui %lt3A_308 : i1 to i32
      %cond3A_310 = arith.constant 0 : i32
      %cond3A_311 = arith.cmpi ne, %convert_element_type3A_309, %cond3A_310 : i32
      scf.if %cond3A_311 {
        %dma_wait3A_483 = arith.constant 0 : i32
        %dma_wait3A_484 = arith.constant 0 : i32
        %dma_wait3A_485 = arith.constant 1 : i32
        %dma_wait3A_486 = arith.constant 0 : i32
        %dma_wait3A_487 = arith.constant 0 : i32
        %dma_wait3A_488 = tpu.memref_slice %arg7[%dma_wait3A_483, %dma_wait3A_486, %dma_wait3A_487] : memref<2x128x128xf32, #tpu.memory_space<vmem>> -> memref<1x128x128xf32, #tpu.memory_space<vmem>>
        %dma_wait3A_489 = tpu.memref_squeeze %dma_wait3A_488 : memref<1x128x128xf32, #tpu.memory_space<vmem>> -> memref<128x128xf32, #tpu.memory_space<vmem>>
        %dma_wait3A_490 = arith.constant 0 : i32
        %dma_wait3A_491 = arith.constant 0 : i32
        %dma_wait3A_492 = tpu.memref_slice %arg6[%dma_wait3A_484, %dma_wait3A_490, %dma_wait3A_491] : memref<4x2x128xi32, #tpu.memory_space<vmem>> -> memref<1x2x128xi32, #tpu.memory_space<vmem>>
        %dma_wait3A_493 = tpu.memref_squeeze %dma_wait3A_492 : memref<1x2x128xi32, #tpu.memory_space<vmem>> -> memref<2x128xi32, #tpu.memory_space<vmem>>
        %dma_wait3A_494 = arith.constant 0 : i32
        %dma_wait3A_495 = tpu.memref_slice %dma_wait3A_493[%dma_wait3A_485, %dma_wait3A_494] : memref<2x128xi32, #tpu.memory_space<vmem>> -> memref<1x128xi32, #tpu.memory_space<vmem>>
        %dma_wait3A_496 = tpu.memref_squeeze %dma_wait3A_495 : memref<1x128xi32, #tpu.memory_space<vmem>> -> memref<128xi32, #tpu.memory_space<vmem>>
        %dma_wait3A_497 = arith.constant 0 : i32
        %dma_wait3A_498 = arith.constant 0 : i32
        %dma_wait3A_499 = tpu.memref_slice %arg8[%dma_wait3A_497, %dma_wait3A_498] : memref<10008x128xf32, #tpu.memory_space<vmem_shared>> -> memref<10008x128xf32, #tpu.memory_space<vmem_shared>>
        tpu.wait_indirect_dma semaphore(%arg15 : memref<!tpu.dma_semaphore, #tpu.memory_space<semaphore_mem>>) src(%dma_wait3A_489 : memref<128x128xf32, #tpu.memory_space<vmem>>) dst(%dma_wait3A_499 : memref<10008x128xf32, #tpu.memory_space<vmem_shared>>)
        %add3A_500 = arith.constant 2 : i32
        %add3A_501 = arith.addi %add3A_306, %add3A_500 : i32
        %add3A_502 = arith.addi %mul3A_8, %add3A_501 : i32
        %dma_start3A_503 = arith.constant 0 : i32
        %dma_start3A_504 = arith.constant 0 : i32
        %dma_start3A_505 = arith.constant 0 : i32
        %dma_start3A_506 = tpu.memref_slice %arg6[%dma_start3A_503, %dma_start3A_504, %dma_start3A_505] : memref<4x2x128xi32, #tpu.memory_space<vmem>> -> memref<1x2x128xi32, #tpu.memory_space<vmem>>
        %dma_start3A_507 = tpu.memref_squeeze %dma_start3A_506 : memref<1x2x128xi32, #tpu.memory_space<vmem>> -> memref<2x128xi32, #tpu.memory_space<vmem>>
        %dma_start3A_508 = arith.constant 0 : i32
        %dma_start3A_509 = arith.constant 0 : i32
        %dma_start3A_510 = tpu.memref_slice %arg3[%add3A_502, %dma_start3A_508, %dma_start3A_509] : memref<1280x2x128xi32, #tpu.memory_space<hbm>> -> memref<1x2x128xi32, #tpu.memory_space<hbm>>
        %dma_start3A_511 = tpu.memref_squeeze %dma_start3A_510 : memref<1x2x128xi32, #tpu.memory_space<hbm>> -> memref<2x128xi32, #tpu.memory_space<hbm>>
        %dma_start3A_512 = arith.constant 0 : i32
        %dma_start3A_513 = arith.constant 0 : i32
        %dma_start3A_514 = tpu.memref_slice %arg6[%dma_start3A_503, %dma_start3A_512, %dma_start3A_513] : memref<4x2x128xi32, #tpu.memory_space<vmem>> -> memref<1x2x128xi32, #tpu.memory_space<vmem>>
        %dma_start3A_515 = tpu.memref_squeeze %dma_start3A_514 : memref<1x2x128xi32, #tpu.memory_space<vmem>> -> memref<2x128xi32, #tpu.memory_space<vmem>>
        %dma_start3A_516 = arith.constant 0 : i32
        %dma_start3A_517 = arith.constant 0 : i32
        %dma_start3A_518 = tpu.memref_slice %arg3[%add3A_502, %dma_start3A_516, %dma_start3A_517] : memref<1280x2x128xi32, #tpu.memory_space<hbm>> -> memref<1x2x128xi32, #tpu.memory_space<hbm>>
        %dma_start3A_519 = tpu.memref_squeeze %dma_start3A_518 : memref<1x2x128xi32, #tpu.memory_space<hbm>> -> memref<2x128xi32, #tpu.memory_space<hbm>>
        tpu.enqueue_dma source(%dma_start3A_519 : memref<2x128xi32, #tpu.memory_space<hbm>>) target(%dma_start3A_515 : memref<2x128xi32, #tpu.memory_space<vmem>>) target_semaphore(%arg9 : memref<!tpu.dma_semaphore, #tpu.memory_space<semaphore_mem>>)
      } else {
      }
      %eq3A_312 = arith.constant 19 : i32
      %eq3A_313 = arith.cmpi eq, %add3A_135, %eq3A_312 : i32
      %convert_element_type3A_314 = arith.extui %eq3A_313 : i1 to i32
      %cond3A_315 = arith.constant 0 : i32
      %cond3A_316 = arith.cmpi ne, %convert_element_type3A_314, %cond3A_315 : i32
      scf.if %cond3A_316 {
        %dma_wait3A_483 = arith.constant 0 : i32
        %dma_wait3A_484 = arith.constant 0 : i32
        %dma_wait3A_485 = arith.constant 1 : i32
        %dma_wait3A_486 = arith.constant 0 : i32
        %dma_wait3A_487 = arith.constant 0 : i32
        %dma_wait3A_488 = tpu.memref_slice %arg7[%dma_wait3A_483, %dma_wait3A_486, %dma_wait3A_487] : memref<2x128x128xf32, #tpu.memory_space<vmem>> -> memref<1x128x128xf32, #tpu.memory_space<vmem>>
        %dma_wait3A_489 = tpu.memref_squeeze %dma_wait3A_488 : memref<1x128x128xf32, #tpu.memory_space<vmem>> -> memref<128x128xf32, #tpu.memory_space<vmem>>
        %dma_wait3A_490 = arith.constant 0 : i32
        %dma_wait3A_491 = arith.constant 0 : i32
        %dma_wait3A_492 = tpu.memref_slice %arg6[%dma_wait3A_484, %dma_wait3A_490, %dma_wait3A_491] : memref<4x2x128xi32, #tpu.memory_space<vmem>> -> memref<1x2x128xi32, #tpu.memory_space<vmem>>
        %dma_wait3A_493 = tpu.memref_squeeze %dma_wait3A_492 : memref<1x2x128xi32, #tpu.memory_space<vmem>> -> memref<2x128xi32, #tpu.memory_space<vmem>>
        %dma_wait3A_494 = arith.constant 0 : i32
        %dma_wait3A_495 = tpu.memref_slice %dma_wait3A_493[%dma_wait3A_485, %dma_wait3A_494] : memref<2x128xi32, #tpu.memory_space<vmem>> -> memref<1x128xi32, #tpu.memory_space<vmem>>
        %dma_wait3A_496 = tpu.memref_squeeze %dma_wait3A_495 : memref<1x128xi32, #tpu.memory_space<vmem>> -> memref<128xi32, #tpu.memory_space<vmem>>
        %dma_wait3A_497 = arith.constant 0 : i32
        %dma_wait3A_498 = arith.constant 0 : i32
        %dma_wait3A_499 = tpu.memref_slice %arg8[%dma_wait3A_497, %dma_wait3A_498] : memref<10008x128xf32, #tpu.memory_space<vmem_shared>> -> memref<10008x128xf32, #tpu.memory_space<vmem_shared>>
        tpu.wait_indirect_dma semaphore(%arg15 : memref<!tpu.dma_semaphore, #tpu.memory_space<semaphore_mem>>) src(%dma_wait3A_489 : memref<128x128xf32, #tpu.memory_space<vmem>>) dst(%dma_wait3A_499 : memref<10008x128xf32, #tpu.memory_space<vmem_shared>>)
      } else {
      }
      %dma_wait3A_317 = arith.constant 0 : i32
      %dma_wait3A_318 = arith.constant 2 : i32
      %dma_wait3A_319 = arith.constant 0 : i32
      %dma_wait3A_320 = arith.constant 0 : i32
      %dma_wait3A_321 = tpu.memref_slice %arg6[%dma_wait3A_318, %dma_wait3A_319, %dma_wait3A_320] : memref<4x2x128xi32, #tpu.memory_space<vmem>> -> memref<1x2x128xi32, #tpu.memory_space<vmem>>
      %dma_wait3A_322 = tpu.memref_squeeze %dma_wait3A_321 : memref<1x2x128xi32, #tpu.memory_space<vmem>> -> memref<2x128xi32, #tpu.memory_space<vmem>>
      %dma_wait3A_323 = arith.constant 0 : i32
      %dma_wait3A_324 = arith.constant 0 : i32
      %dma_wait3A_325 = tpu.memref_slice %arg3[%dma_wait3A_317, %dma_wait3A_323, %dma_wait3A_324] : memref<1280x2x128xi32, #tpu.memory_space<hbm>> -> memref<1x2x128xi32, #tpu.memory_space<hbm>>
      %dma_wait3A_326 = tpu.memref_squeeze %dma_wait3A_325 : memref<1x2x128xi32, #tpu.memory_space<hbm>> -> memref<2x128xi32, #tpu.memory_space<hbm>>
      %dma_wait3A_327 = arith.constant 0 : i32
      %dma_wait3A_328 = arith.constant 0 : i32
      %dma_wait3A_329 = tpu.memref_slice %arg6[%dma_wait3A_318, %dma_wait3A_327, %dma_wait3A_328] : memref<4x2x128xi32, #tpu.memory_space<vmem>> -> memref<1x2x128xi32, #tpu.memory_space<vmem>>
      %dma_wait3A_330 = tpu.memref_squeeze %dma_wait3A_329 : memref<1x2x128xi32, #tpu.memory_space<vmem>> -> memref<2x128xi32, #tpu.memory_space<vmem>>
      %dma_wait3A_331 = arith.constant 0 : i32
      %dma_wait3A_332 = arith.constant 0 : i32
      %dma_wait3A_333 = tpu.memref_slice %arg3[%dma_wait3A_317, %dma_wait3A_331, %dma_wait3A_332] : memref<1280x2x128xi32, #tpu.memory_space<hbm>> -> memref<1x2x128xi32, #tpu.memory_space<hbm>>
      %dma_wait3A_334 = tpu.memref_squeeze %dma_wait3A_333 : memref<1x2x128xi32, #tpu.memory_space<hbm>> -> memref<2x128xi32, #tpu.memory_space<hbm>>
      tpu.wait_dma2 semaphore(%arg11 : memref<!tpu.dma_semaphore, #tpu.memory_space<semaphore_mem>>) src(%dma_wait3A_334 : memref<2x128xi32, #tpu.memory_space<hbm>>) dst(%dma_wait3A_330 : memref<2x128xi32, #tpu.memory_space<vmem>>)
      %dma_start3A_335 = arith.constant 2 : i32
      %dma_start3A_336 = arith.constant 0 : i32
      %dma_start3A_337 = arith.constant 0 : i32
      %dma_start3A_338 = arith.constant 0 : i32
      %dma_start3A_339 = arith.constant 0 : i32
      %dma_start3A_340 = tpu.memref_slice %arg7[%dma_start3A_337, %dma_start3A_338, %dma_start3A_339] : memref<2x128x128xf32, #tpu.memory_space<vmem>> -> memref<1x128x128xf32, #tpu.memory_space<vmem>>
      %dma_start3A_341 = tpu.memref_squeeze %dma_start3A_340 : memref<1x128x128xf32, #tpu.memory_space<vmem>> -> memref<128x128xf32, #tpu.memory_space<vmem>>
      %dma_start3A_342 = arith.constant 0 : i32
      %dma_start3A_343 = arith.constant 0 : i32
      %dma_start3A_344 = tpu.memref_slice %arg6[%dma_start3A_335, %dma_start3A_342, %dma_start3A_343] : memref<4x2x128xi32, #tpu.memory_space<vmem>> -> memref<1x2x128xi32, #tpu.memory_space<vmem>>
      %dma_start3A_345 = tpu.memref_squeeze %dma_start3A_344 : memref<1x2x128xi32, #tpu.memory_space<vmem>> -> memref<2x128xi32, #tpu.memory_space<vmem>>
      %dma_start3A_346 = arith.constant 0 : i32
      %dma_start3A_347 = tpu.memref_slice %dma_start3A_345[%dma_start3A_336, %dma_start3A_346] : memref<2x128xi32, #tpu.memory_space<vmem>> -> memref<1x128xi32, #tpu.memory_space<vmem>>
      %dma_start3A_348 = tpu.memref_squeeze %dma_start3A_347 : memref<1x128xi32, #tpu.memory_space<vmem>> -> memref<128xi32, #tpu.memory_space<vmem>>
      %dma_start3A_349 = arith.constant 0 : i32
      %dma_start3A_350 = arith.constant 0 : i32
      %dma_start3A_351 = tpu.memref_slice %arg2[%arg0, %dma_start3A_349, %dma_start3A_350] : memref<2x10000x128xf32, #tpu.memory_space<hbm>> -> memref<1x10000x128xf32, #tpu.memory_space<hbm>>
      %dma_start3A_352 = tpu.memref_squeeze %dma_start3A_351 : memref<1x10000x128xf32, #tpu.memory_space<hbm>> -> memref<10000x128xf32, #tpu.memory_space<hbm>>
      %dma_start3A_353 = arith.constant 0 : i32
      %dma_start3A_354 = arith.constant 0 : i32
      %dma_start3A_355 = tpu.memref_slice %dma_start3A_352[%dma_start3A_353, %dma_start3A_354] : memref<10000x128xf32, #tpu.memory_space<hbm>> -> memref<10000x128xf32, #tpu.memory_space<hbm>>
      tpu.enqueue_indirect_dma source(%dma_start3A_355 : memref<10000x128xf32, #tpu.memory_space<hbm>>) target(%dma_start3A_341 : memref<128x128xf32, #tpu.memory_space<vmem>>) offsets(%dma_start3A_348 : memref<128xi32, #tpu.memory_space<vmem>>) semaphore(%arg13 : memref<!tpu.dma_semaphore, #tpu.memory_space<semaphore_mem>>)
      %dma_wait3A_356 = arith.constant 0 : i32
      %dma_wait3A_357 = arith.constant 0 : i32
      %dma_wait3A_358 = arith.constant 0 : i32
      %dma_wait3A_359 = arith.constant 0 : i32
      %dma_wait3A_360 = arith.constant 0 : i32
      %dma_wait3A_361 = tpu.memref_slice %arg7[%dma_wait3A_358, %dma_wait3A_359, %dma_wait3A_360] : memref<2x128x128xf32, #tpu.memory_space<vmem>> -> memref<1x128x128xf32, #tpu.memory_space<vmem>>
      %dma_wait3A_362 = tpu.memref_squeeze %dma_wait3A_361 : memref<1x128x128xf32, #tpu.memory_space<vmem>> -> memref<128x128xf32, #tpu.memory_space<vmem>>
      %dma_wait3A_363 = arith.constant 0 : i32
      %dma_wait3A_364 = arith.constant 0 : i32
      %dma_wait3A_365 = tpu.memref_slice %arg6[%dma_wait3A_356, %dma_wait3A_363, %dma_wait3A_364] : memref<4x2x128xi32, #tpu.memory_space<vmem>> -> memref<1x2x128xi32, #tpu.memory_space<vmem>>
      %dma_wait3A_366 = tpu.memref_squeeze %dma_wait3A_365 : memref<1x2x128xi32, #tpu.memory_space<vmem>> -> memref<2x128xi32, #tpu.memory_space<vmem>>
      %dma_wait3A_367 = arith.constant 0 : i32
      %dma_wait3A_368 = tpu.memref_slice %dma_wait3A_366[%dma_wait3A_357, %dma_wait3A_367] : memref<2x128xi32, #tpu.memory_space<vmem>> -> memref<1x128xi32, #tpu.memory_space<vmem>>
      %dma_wait3A_369 = tpu.memref_squeeze %dma_wait3A_368 : memref<1x128xi32, #tpu.memory_space<vmem>> -> memref<128xi32, #tpu.memory_space<vmem>>
      %dma_wait3A_370 = arith.constant 0 : i32
      %dma_wait3A_371 = arith.constant 0 : i32
      %dma_wait3A_372 = tpu.memref_slice %arg2[%arg0, %dma_wait3A_370, %dma_wait3A_371] : memref<2x10000x128xf32, #tpu.memory_space<hbm>> -> memref<1x10000x128xf32, #tpu.memory_space<hbm>>
      %dma_wait3A_373 = tpu.memref_squeeze %dma_wait3A_372 : memref<1x10000x128xf32, #tpu.memory_space<hbm>> -> memref<10000x128xf32, #tpu.memory_space<hbm>>
      %dma_wait3A_374 = arith.constant 0 : i32
      %dma_wait3A_375 = arith.constant 0 : i32
      %dma_wait3A_376 = tpu.memref_slice %dma_wait3A_373[%dma_wait3A_374, %dma_wait3A_375] : memref<10000x128xf32, #tpu.memory_space<hbm>> -> memref<10000x128xf32, #tpu.memory_space<hbm>>
      tpu.wait_indirect_dma semaphore(%arg13 : memref<!tpu.dma_semaphore, #tpu.memory_space<semaphore_mem>>) src(%dma_wait3A_376 : memref<10000x128xf32, #tpu.memory_space<hbm>>) dst(%dma_wait3A_362 : memref<128x128xf32, #tpu.memory_space<vmem>>)
      %dma_start3A_377 = arith.constant 0 : i32
      %dma_start3A_378 = arith.constant 2 : i32
      %dma_start3A_379 = arith.constant 1 : i32
      %dma_start3A_380 = arith.constant 0 : i32
      %dma_start3A_381 = arith.constant 0 : i32
      %dma_start3A_382 = tpu.memref_slice %arg7[%dma_start3A_377, %dma_start3A_380, %dma_start3A_381] : memref<2x128x128xf32, #tpu.memory_space<vmem>> -> memref<1x128x128xf32, #tpu.memory_space<vmem>>
      %dma_start3A_383 = tpu.memref_squeeze %dma_start3A_382 : memref<1x128x128xf32, #tpu.memory_space<vmem>> -> memref<128x128xf32, #tpu.memory_space<vmem>>
      %dma_start3A_384 = arith.constant 0 : i32
      %dma_start3A_385 = arith.constant 0 : i32
      %dma_start3A_386 = tpu.memref_slice %arg6[%dma_start3A_378, %dma_start3A_384, %dma_start3A_385] : memref<4x2x128xi32, #tpu.memory_space<vmem>> -> memref<1x2x128xi32, #tpu.memory_space<vmem>>
      %dma_start3A_387 = tpu.memref_squeeze %dma_start3A_386 : memref<1x2x128xi32, #tpu.memory_space<vmem>> -> memref<2x128xi32, #tpu.memory_space<vmem>>
      %dma_start3A_388 = arith.constant 0 : i32
      %dma_start3A_389 = tpu.memref_slice %dma_start3A_387[%dma_start3A_379, %dma_start3A_388] : memref<2x128xi32, #tpu.memory_space<vmem>> -> memref<1x128xi32, #tpu.memory_space<vmem>>
      %dma_start3A_390 = tpu.memref_squeeze %dma_start3A_389 : memref<1x128xi32, #tpu.memory_space<vmem>> -> memref<128xi32, #tpu.memory_space<vmem>>
      %dma_start3A_391 = arith.constant 0 : i32
      %dma_start3A_392 = arith.constant 0 : i32
      %dma_start3A_393 = tpu.memref_slice %arg8[%dma_start3A_391, %dma_start3A_392] : memref<10008x128xf32, #tpu.memory_space<vmem_shared>> -> memref<10008x128xf32, #tpu.memory_space<vmem_shared>>
      tpu.enqueue_indirect_dma source(%dma_start3A_383 : memref<128x128xf32, #tpu.memory_space<vmem>>) target(%dma_start3A_393 : memref<10008x128xf32, #tpu.memory_space<vmem_shared>>) offsets(%dma_start3A_390 : memref<128xi32, #tpu.memory_space<vmem>>) semaphore(%arg15 : memref<!tpu.dma_semaphore, #tpu.memory_space<semaphore_mem>>) {add = true}
      %add3A_394 = arith.constant 3 : i32
      %add3A_395 = arith.addi %mul3A_137, %add3A_394 : i32
      %lt3A_396 = arith.constant 19 : i32
      %lt3A_397 = arith.cmpi slt, %add3A_135, %lt3A_396 : i32
      %convert_element_type3A_398 = arith.extui %lt3A_397 : i1 to i32
      %cond3A_399 = arith.constant 0 : i32
      %cond3A_400 = arith.cmpi ne, %convert_element_type3A_398, %cond3A_399 : i32
      scf.if %cond3A_400 {
        %dma_wait3A_483 = arith.constant 1 : i32
        %dma_wait3A_484 = arith.constant 0 : i32
        %dma_wait3A_485 = arith.constant 1 : i32
        %dma_wait3A_486 = arith.constant 0 : i32
        %dma_wait3A_487 = arith.constant 0 : i32
        %dma_wait3A_488 = tpu.memref_slice %arg7[%dma_wait3A_483, %dma_wait3A_486, %dma_wait3A_487] : memref<2x128x128xf32, #tpu.memory_space<vmem>> -> memref<1x128x128xf32, #tpu.memory_space<vmem>>
        %dma_wait3A_489 = tpu.memref_squeeze %dma_wait3A_488 : memref<1x128x128xf32, #tpu.memory_space<vmem>> -> memref<128x128xf32, #tpu.memory_space<vmem>>
        %dma_wait3A_490 = arith.constant 0 : i32
        %dma_wait3A_491 = arith.constant 0 : i32
        %dma_wait3A_492 = tpu.memref_slice %arg6[%dma_wait3A_484, %dma_wait3A_490, %dma_wait3A_491] : memref<4x2x128xi32, #tpu.memory_space<vmem>> -> memref<1x2x128xi32, #tpu.memory_space<vmem>>
        %dma_wait3A_493 = tpu.memref_squeeze %dma_wait3A_492 : memref<1x2x128xi32, #tpu.memory_space<vmem>> -> memref<2x128xi32, #tpu.memory_space<vmem>>
        %dma_wait3A_494 = arith.constant 0 : i32
        %dma_wait3A_495 = tpu.memref_slice %dma_wait3A_493[%dma_wait3A_485, %dma_wait3A_494] : memref<2x128xi32, #tpu.memory_space<vmem>> -> memref<1x128xi32, #tpu.memory_space<vmem>>
        %dma_wait3A_496 = tpu.memref_squeeze %dma_wait3A_495 : memref<1x128xi32, #tpu.memory_space<vmem>> -> memref<128xi32, #tpu.memory_space<vmem>>
        %dma_wait3A_497 = arith.constant 0 : i32
        %dma_wait3A_498 = arith.constant 0 : i32
        %dma_wait3A_499 = tpu.memref_slice %arg8[%dma_wait3A_497, %dma_wait3A_498] : memref<10008x128xf32, #tpu.memory_space<vmem_shared>> -> memref<10008x128xf32, #tpu.memory_space<vmem_shared>>
        tpu.wait_indirect_dma semaphore(%arg16 : memref<!tpu.dma_semaphore, #tpu.memory_space<semaphore_mem>>) src(%dma_wait3A_489 : memref<128x128xf32, #tpu.memory_space<vmem>>) dst(%dma_wait3A_499 : memref<10008x128xf32, #tpu.memory_space<vmem_shared>>)
        %add3A_500 = arith.constant 2 : i32
        %add3A_501 = arith.addi %add3A_395, %add3A_500 : i32
        %add3A_502 = arith.addi %mul3A_8, %add3A_501 : i32
        %dma_start3A_503 = arith.constant 1 : i32
        %dma_start3A_504 = arith.constant 0 : i32
        %dma_start3A_505 = arith.constant 0 : i32
        %dma_start3A_506 = tpu.memref_slice %arg6[%dma_start3A_503, %dma_start3A_504, %dma_start3A_505] : memref<4x2x128xi32, #tpu.memory_space<vmem>> -> memref<1x2x128xi32, #tpu.memory_space<vmem>>
        %dma_start3A_507 = tpu.memref_squeeze %dma_start3A_506 : memref<1x2x128xi32, #tpu.memory_space<vmem>> -> memref<2x128xi32, #tpu.memory_space<vmem>>
        %dma_start3A_508 = arith.constant 0 : i32
        %dma_start3A_509 = arith.constant 0 : i32
        %dma_start3A_510 = tpu.memref_slice %arg3[%add3A_502, %dma_start3A_508, %dma_start3A_509] : memref<1280x2x128xi32, #tpu.memory_space<hbm>> -> memref<1x2x128xi32, #tpu.memory_space<hbm>>
        %dma_start3A_511 = tpu.memref_squeeze %dma_start3A_510 : memref<1x2x128xi32, #tpu.memory_space<hbm>> -> memref<2x128xi32, #tpu.memory_space<hbm>>
        %dma_start3A_512 = arith.constant 0 : i32
        %dma_start3A_513 = arith.constant 0 : i32
        %dma_start3A_514 = tpu.memref_slice %arg6[%dma_start3A_503, %dma_start3A_512, %dma_start3A_513] : memref<4x2x128xi32, #tpu.memory_space<vmem>> -> memref<1x2x128xi32, #tpu.memory_space<vmem>>
        %dma_start3A_515 = tpu.memref_squeeze %dma_start3A_514 : memref<1x2x128xi32, #tpu.memory_space<vmem>> -> memref<2x128xi32, #tpu.memory_space<vmem>>
        %dma_start3A_516 = arith.constant 0 : i32
        %dma_start3A_517 = arith.constant 0 : i32
        %dma_start3A_518 = tpu.memref_slice %arg3[%add3A_502, %dma_start3A_516, %dma_start3A_517] : memref<1280x2x128xi32, #tpu.memory_space<hbm>> -> memref<1x2x128xi32, #tpu.memory_space<hbm>>
        %dma_start3A_519 = tpu.memref_squeeze %dma_start3A_518 : memref<1x2x128xi32, #tpu.memory_space<hbm>> -> memref<2x128xi32, #tpu.memory_space<hbm>>
        tpu.enqueue_dma source(%dma_start3A_519 : memref<2x128xi32, #tpu.memory_space<hbm>>) target(%dma_start3A_515 : memref<2x128xi32, #tpu.memory_space<vmem>>) target_semaphore(%arg10 : memref<!tpu.dma_semaphore, #tpu.memory_space<semaphore_mem>>)
      } else {
      }
      %eq3A_401 = arith.constant 19 : i32
      %eq3A_402 = arith.cmpi eq, %add3A_135, %eq3A_401 : i32
      %convert_element_type3A_403 = arith.extui %eq3A_402 : i1 to i32
      %cond3A_404 = arith.constant 0 : i32
      %cond3A_405 = arith.cmpi ne, %convert_element_type3A_403, %cond3A_404 : i32
      scf.if %cond3A_405 {
        %dma_wait3A_483 = arith.constant 1 : i32
        %dma_wait3A_484 = arith.constant 0 : i32
        %dma_wait3A_485 = arith.constant 1 : i32
        %dma_wait3A_486 = arith.constant 0 : i32
        %dma_wait3A_487 = arith.constant 0 : i32
        %dma_wait3A_488 = tpu.memref_slice %arg7[%dma_wait3A_483, %dma_wait3A_486, %dma_wait3A_487] : memref<2x128x128xf32, #tpu.memory_space<vmem>> -> memref<1x128x128xf32, #tpu.memory_space<vmem>>
        %dma_wait3A_489 = tpu.memref_squeeze %dma_wait3A_488 : memref<1x128x128xf32, #tpu.memory_space<vmem>> -> memref<128x128xf32, #tpu.memory_space<vmem>>
        %dma_wait3A_490 = arith.constant 0 : i32
        %dma_wait3A_491 = arith.constant 0 : i32
        %dma_wait3A_492 = tpu.memref_slice %arg6[%dma_wait3A_484, %dma_wait3A_490, %dma_wait3A_491] : memref<4x2x128xi32, #tpu.memory_space<vmem>> -> memref<1x2x128xi32, #tpu.memory_space<vmem>>
        %dma_wait3A_493 = tpu.memref_squeeze %dma_wait3A_492 : memref<1x2x128xi32, #tpu.memory_space<vmem>> -> memref<2x128xi32, #tpu.memory_space<vmem>>
        %dma_wait3A_494 = arith.constant 0 : i32
        %dma_wait3A_495 = tpu.memref_slice %dma_wait3A_493[%dma_wait3A_485, %dma_wait3A_494] : memref<2x128xi32, #tpu.memory_space<vmem>> -> memref<1x128xi32, #tpu.memory_space<vmem>>
        %dma_wait3A_496 = tpu.memref_squeeze %dma_wait3A_495 : memref<1x128xi32, #tpu.memory_space<vmem>> -> memref<128xi32, #tpu.memory_space<vmem>>
        %dma_wait3A_497 = arith.constant 0 : i32
        %dma_wait3A_498 = arith.constant 0 : i32
        %dma_wait3A_499 = tpu.memref_slice %arg8[%dma_wait3A_497, %dma_wait3A_498] : memref<10008x128xf32, #tpu.memory_space<vmem_shared>> -> memref<10008x128xf32, #tpu.memory_space<vmem_shared>>
        tpu.wait_indirect_dma semaphore(%arg16 : memref<!tpu.dma_semaphore, #tpu.memory_space<semaphore_mem>>) src(%dma_wait3A_489 : memref<128x128xf32, #tpu.memory_space<vmem>>) dst(%dma_wait3A_499 : memref<10008x128xf32, #tpu.memory_space<vmem_shared>>)
      } else {
      }
      %dma_wait3A_406 = arith.constant 0 : i32
      %dma_wait3A_407 = arith.constant 3 : i32
      %dma_wait3A_408 = arith.constant 0 : i32
      %dma_wait3A_409 = arith.constant 0 : i32
      %dma_wait3A_410 = tpu.memref_slice %arg6[%dma_wait3A_407, %dma_wait3A_408, %dma_wait3A_409] : memref<4x2x128xi32, #tpu.memory_space<vmem>> -> memref<1x2x128xi32, #tpu.memory_space<vmem>>
      %dma_wait3A_411 = tpu.memref_squeeze %dma_wait3A_410 : memref<1x2x128xi32, #tpu.memory_space<vmem>> -> memref<2x128xi32, #tpu.memory_space<vmem>>
      %dma_wait3A_412 = arith.constant 0 : i32
      %dma_wait3A_413 = arith.constant 0 : i32
      %dma_wait3A_414 = tpu.memref_slice %arg3[%dma_wait3A_406, %dma_wait3A_412, %dma_wait3A_413] : memref<1280x2x128xi32, #tpu.memory_space<hbm>> -> memref<1x2x128xi32, #tpu.memory_space<hbm>>
      %dma_wait3A_415 = tpu.memref_squeeze %dma_wait3A_414 : memref<1x2x128xi32, #tpu.memory_space<hbm>> -> memref<2x128xi32, #tpu.memory_space<hbm>>
      %dma_wait3A_416 = arith.constant 0 : i32
      %dma_wait3A_417 = arith.constant 0 : i32
      %dma_wait3A_418 = tpu.memref_slice %arg6[%dma_wait3A_407, %dma_wait3A_416, %dma_wait3A_417] : memref<4x2x128xi32, #tpu.memory_space<vmem>> -> memref<1x2x128xi32, #tpu.memory_space<vmem>>
      %dma_wait3A_419 = tpu.memref_squeeze %dma_wait3A_418 : memref<1x2x128xi32, #tpu.memory_space<vmem>> -> memref<2x128xi32, #tpu.memory_space<vmem>>
      %dma_wait3A_420 = arith.constant 0 : i32
      %dma_wait3A_421 = arith.constant 0 : i32
      %dma_wait3A_422 = tpu.memref_slice %arg3[%dma_wait3A_406, %dma_wait3A_420, %dma_wait3A_421] : memref<1280x2x128xi32, #tpu.memory_space<hbm>> -> memref<1x2x128xi32, #tpu.memory_space<hbm>>
      %dma_wait3A_423 = tpu.memref_squeeze %dma_wait3A_422 : memref<1x2x128xi32, #tpu.memory_space<hbm>> -> memref<2x128xi32, #tpu.memory_space<hbm>>
      tpu.wait_dma2 semaphore(%arg12 : memref<!tpu.dma_semaphore, #tpu.memory_space<semaphore_mem>>) src(%dma_wait3A_423 : memref<2x128xi32, #tpu.memory_space<hbm>>) dst(%dma_wait3A_419 : memref<2x128xi32, #tpu.memory_space<vmem>>)
      %dma_start3A_424 = arith.constant 3 : i32
      %dma_start3A_425 = arith.constant 0 : i32
      %dma_start3A_426 = arith.constant 1 : i32
      %dma_start3A_427 = arith.constant 0 : i32
      %dma_start3A_428 = arith.constant 0 : i32
      %dma_start3A_429 = tpu.memref_slice %arg7[%dma_start3A_426, %dma_start3A_427, %dma_start3A_428] : memref<2x128x128xf32, #tpu.memory_space<vmem>> -> memref<1x128x128xf32, #tpu.memory_space<vmem>>
      %dma_start3A_430 = tpu.memref_squeeze %dma_start3A_429 : memref<1x128x128xf32, #tpu.memory_space<vmem>> -> memref<128x128xf32, #tpu.memory_space<vmem>>
      %dma_start3A_431 = arith.constant 0 : i32
      %dma_start3A_432 = arith.constant 0 : i32
      %dma_start3A_433 = tpu.memref_slice %arg6[%dma_start3A_424, %dma_start3A_431, %dma_start3A_432] : memref<4x2x128xi32, #tpu.memory_space<vmem>> -> memref<1x2x128xi32, #tpu.memory_space<vmem>>
      %dma_start3A_434 = tpu.memref_squeeze %dma_start3A_433 : memref<1x2x128xi32, #tpu.memory_space<vmem>> -> memref<2x128xi32, #tpu.memory_space<vmem>>
      %dma_start3A_435 = arith.constant 0 : i32
      %dma_start3A_436 = tpu.memref_slice %dma_start3A_434[%dma_start3A_425, %dma_start3A_435] : memref<2x128xi32, #tpu.memory_space<vmem>> -> memref<1x128xi32, #tpu.memory_space<vmem>>
      %dma_start3A_437 = tpu.memref_squeeze %dma_start3A_436 : memref<1x128xi32, #tpu.memory_space<vmem>> -> memref<128xi32, #tpu.memory_space<vmem>>
      %dma_start3A_438 = arith.constant 0 : i32
      %dma_start3A_439 = arith.constant 0 : i32
      %dma_start3A_440 = tpu.memref_slice %arg2[%arg0, %dma_start3A_438, %dma_start3A_439] : memref<2x10000x128xf32, #tpu.memory_space<hbm>> -> memref<1x10000x128xf32, #tpu.memory_space<hbm>>
      %dma_start3A_441 = tpu.memref_squeeze %dma_start3A_440 : memref<1x10000x128xf32, #tpu.memory_space<hbm>> -> memref<10000x128xf32, #tpu.memory_space<hbm>>
      %dma_start3A_442 = arith.constant 0 : i32
      %dma_start3A_443 = arith.constant 0 : i32
      %dma_start3A_444 = tpu.memref_slice %dma_start3A_441[%dma_start3A_442, %dma_start3A_443] : memref<10000x128xf32, #tpu.memory_space<hbm>> -> memref<10000x128xf32, #tpu.memory_space<hbm>>
      tpu.enqueue_indirect_dma source(%dma_start3A_444 : memref<10000x128xf32, #tpu.memory_space<hbm>>) target(%dma_start3A_430 : memref<128x128xf32, #tpu.memory_space<vmem>>) offsets(%dma_start3A_437 : memref<128xi32, #tpu.memory_space<vmem>>) semaphore(%arg14 : memref<!tpu.dma_semaphore, #tpu.memory_space<semaphore_mem>>)
      %dma_wait3A_445 = arith.constant 0 : i32
      %dma_wait3A_446 = arith.constant 0 : i32
      %dma_wait3A_447 = arith.constant 1 : i32
      %dma_wait3A_448 = arith.constant 0 : i32
      %dma_wait3A_449 = arith.constant 0 : i32
      %dma_wait3A_450 = tpu.memref_slice %arg7[%dma_wait3A_447, %dma_wait3A_448, %dma_wait3A_449] : memref<2x128x128xf32, #tpu.memory_space<vmem>> -> memref<1x128x128xf32, #tpu.memory_space<vmem>>
      %dma_wait3A_451 = tpu.memref_squeeze %dma_wait3A_450 : memref<1x128x128xf32, #tpu.memory_space<vmem>> -> memref<128x128xf32, #tpu.memory_space<vmem>>
      %dma_wait3A_452 = arith.constant 0 : i32
      %dma_wait3A_453 = arith.constant 0 : i32
      %dma_wait3A_454 = tpu.memref_slice %arg6[%dma_wait3A_445, %dma_wait3A_452, %dma_wait3A_453] : memref<4x2x128xi32, #tpu.memory_space<vmem>> -> memref<1x2x128xi32, #tpu.memory_space<vmem>>
      %dma_wait3A_455 = tpu.memref_squeeze %dma_wait3A_454 : memref<1x2x128xi32, #tpu.memory_space<vmem>> -> memref<2x128xi32, #tpu.memory_space<vmem>>
      %dma_wait3A_456 = arith.constant 0 : i32
      %dma_wait3A_457 = tpu.memref_slice %dma_wait3A_455[%dma_wait3A_446, %dma_wait3A_456] : memref<2x128xi32, #tpu.memory_space<vmem>> -> memref<1x128xi32, #tpu.memory_space<vmem>>
      %dma_wait3A_458 = tpu.memref_squeeze %dma_wait3A_457 : memref<1x128xi32, #tpu.memory_space<vmem>> -> memref<128xi32, #tpu.memory_space<vmem>>
      %dma_wait3A_459 = arith.constant 0 : i32
      %dma_wait3A_460 = arith.constant 0 : i32
      %dma_wait3A_461 = tpu.memref_slice %arg2[%arg0, %dma_wait3A_459, %dma_wait3A_460] : memref<2x10000x128xf32, #tpu.memory_space<hbm>> -> memref<1x10000x128xf32, #tpu.memory_space<hbm>>
      %dma_wait3A_462 = tpu.memref_squeeze %dma_wait3A_461 : memref<1x10000x128xf32, #tpu.memory_space<hbm>> -> memref<10000x128xf32, #tpu.memory_space<hbm>>
      %dma_wait3A_463 = arith.constant 0 : i32
      %dma_wait3A_464 = arith.constant 0 : i32
      %dma_wait3A_465 = tpu.memref_slice %dma_wait3A_462[%dma_wait3A_463, %dma_wait3A_464] : memref<10000x128xf32, #tpu.memory_space<hbm>> -> memref<10000x128xf32, #tpu.memory_space<hbm>>
      tpu.wait_indirect_dma semaphore(%arg14 : memref<!tpu.dma_semaphore, #tpu.memory_space<semaphore_mem>>) src(%dma_wait3A_465 : memref<10000x128xf32, #tpu.memory_space<hbm>>) dst(%dma_wait3A_451 : memref<128x128xf32, #tpu.memory_space<vmem>>)
      %dma_start3A_466 = arith.constant 1 : i32
      %dma_start3A_467 = arith.constant 3 : i32
      %dma_start3A_468 = arith.constant 1 : i32
      %dma_start3A_469 = arith.constant 0 : i32
      %dma_start3A_470 = arith.constant 0 : i32
      %dma_start3A_471 = tpu.memref_slice %arg7[%dma_start3A_466, %dma_start3A_469, %dma_start3A_470] : memref<2x128x128xf32, #tpu.memory_space<vmem>> -> memref<1x128x128xf32, #tpu.memory_space<vmem>>
      %dma_start3A_472 = tpu.memref_squeeze %dma_start3A_471 : memref<1x128x128xf32, #tpu.memory_space<vmem>> -> memref<128x128xf32, #tpu.memory_space<vmem>>
      %dma_start3A_473 = arith.constant 0 : i32
      %dma_start3A_474 = arith.constant 0 : i32
      %dma_start3A_475 = tpu.memref_slice %arg6[%dma_start3A_467, %dma_start3A_473, %dma_start3A_474] : memref<4x2x128xi32, #tpu.memory_space<vmem>> -> memref<1x2x128xi32, #tpu.memory_space<vmem>>
      %dma_start3A_476 = tpu.memref_squeeze %dma_start3A_475 : memref<1x2x128xi32, #tpu.memory_space<vmem>> -> memref<2x128xi32, #tpu.memory_space<vmem>>
      %dma_start3A_477 = arith.constant 0 : i32
      %dma_start3A_478 = tpu.memref_slice %dma_start3A_476[%dma_start3A_468, %dma_start3A_477] : memref<2x128xi32, #tpu.memory_space<vmem>> -> memref<1x128xi32, #tpu.memory_space<vmem>>
      %dma_start3A_479 = tpu.memref_squeeze %dma_start3A_478 : memref<1x128xi32, #tpu.memory_space<vmem>> -> memref<128xi32, #tpu.memory_space<vmem>>
      %dma_start3A_480 = arith.constant 0 : i32
      %dma_start3A_481 = arith.constant 0 : i32
      %dma_start3A_482 = tpu.memref_slice %arg8[%dma_start3A_480, %dma_start3A_481] : memref<10008x128xf32, #tpu.memory_space<vmem_shared>> -> memref<10008x128xf32, #tpu.memory_space<vmem_shared>>
      tpu.enqueue_indirect_dma source(%dma_start3A_472 : memref<128x128xf32, #tpu.memory_space<vmem>>) target(%dma_start3A_482 : memref<10008x128xf32, #tpu.memory_space<vmem_shared>>) offsets(%dma_start3A_479 : memref<128xi32, #tpu.memory_space<vmem>>) semaphore(%arg16 : memref<!tpu.dma_semaphore, #tpu.memory_space<semaphore_mem>>) {add = true}
    }
    %scan3A_86 = arith.constant 20 : i32
    %dma_wait3A = arith.constant 0 : i32
    %dma_wait3A_87 = arith.constant 0 : i32
    %dma_wait3A_88 = arith.constant 1 : i32
    %dma_wait3A_89 = arith.constant 0 : i32
    %dma_wait3A_90 = arith.constant 0 : i32
    %dma_wait3A_91 = tpu.memref_slice %arg7[%dma_wait3A, %dma_wait3A_89, %dma_wait3A_90] : memref<2x128x128xf32, #tpu.memory_space<vmem>> -> memref<1x128x128xf32, #tpu.memory_space<vmem>>
    %dma_wait3A_92 = tpu.memref_squeeze %dma_wait3A_91 : memref<1x128x128xf32, #tpu.memory_space<vmem>> -> memref<128x128xf32, #tpu.memory_space<vmem>>
    %dma_wait3A_93 = arith.constant 0 : i32
    %dma_wait3A_94 = arith.constant 0 : i32
    %dma_wait3A_95 = tpu.memref_slice %arg6[%dma_wait3A_87, %dma_wait3A_93, %dma_wait3A_94] : memref<4x2x128xi32, #tpu.memory_space<vmem>> -> memref<1x2x128xi32, #tpu.memory_space<vmem>>
    %dma_wait3A_96 = tpu.memref_squeeze %dma_wait3A_95 : memref<1x2x128xi32, #tpu.memory_space<vmem>> -> memref<2x128xi32, #tpu.memory_space<vmem>>
    %dma_wait3A_97 = arith.constant 0 : i32
    %dma_wait3A_98 = tpu.memref_slice %dma_wait3A_96[%dma_wait3A_88, %dma_wait3A_97] : memref<2x128xi32, #tpu.memory_space<vmem>> -> memref<1x128xi32, #tpu.memory_space<vmem>>
    %dma_wait3A_99 = tpu.memref_squeeze %dma_wait3A_98 : memref<1x128xi32, #tpu.memory_space<vmem>> -> memref<128xi32, #tpu.memory_space<vmem>>
    %dma_wait3A_100 = arith.constant 0 : i32
    %dma_wait3A_101 = arith.constant 0 : i32
    %dma_wait3A_102 = tpu.memref_slice %arg8[%dma_wait3A_100, %dma_wait3A_101] : memref<10008x128xf32, #tpu.memory_space<vmem_shared>> -> memref<10008x128xf32, #tpu.memory_space<vmem_shared>>
    tpu.wait_indirect_dma semaphore(%arg15 : memref<!tpu.dma_semaphore, #tpu.memory_space<semaphore_mem>>) src(%dma_wait3A_92 : memref<128x128xf32, #tpu.memory_space<vmem>>) dst(%dma_wait3A_102 : memref<10008x128xf32, #tpu.memory_space<vmem_shared>>)
    %dma_wait3A_103 = arith.constant 1 : i32
    %dma_wait3A_104 = arith.constant 0 : i32
    %dma_wait3A_105 = arith.constant 1 : i32
    %dma_wait3A_106 = arith.constant 0 : i32
    %dma_wait3A_107 = arith.constant 0 : i32
    %dma_wait3A_108 = tpu.memref_slice %arg7[%dma_wait3A_103, %dma_wait3A_106, %dma_wait3A_107] : memref<2x128x128xf32, #tpu.memory_space<vmem>> -> memref<1x128x128xf32, #tpu.memory_space<vmem>>
    %dma_wait3A_109 = tpu.memref_squeeze %dma_wait3A_108 : memref<1x128x128xf32, #tpu.memory_space<vmem>> -> memref<128x128xf32, #tpu.memory_space<vmem>>
    %dma_wait3A_110 = arith.constant 0 : i32
    %dma_wait3A_111 = arith.constant 0 : i32
    %dma_wait3A_112 = tpu.memref_slice %arg6[%dma_wait3A_104, %dma_wait3A_110, %dma_wait3A_111] : memref<4x2x128xi32, #tpu.memory_space<vmem>> -> memref<1x2x128xi32, #tpu.memory_space<vmem>>
    %dma_wait3A_113 = tpu.memref_squeeze %dma_wait3A_112 : memref<1x2x128xi32, #tpu.memory_space<vmem>> -> memref<2x128xi32, #tpu.memory_space<vmem>>
    %dma_wait3A_114 = arith.constant 0 : i32
    %dma_wait3A_115 = tpu.memref_slice %dma_wait3A_113[%dma_wait3A_105, %dma_wait3A_114] : memref<2x128xi32, #tpu.memory_space<vmem>> -> memref<1x128xi32, #tpu.memory_space<vmem>>
    %dma_wait3A_116 = tpu.memref_squeeze %dma_wait3A_115 : memref<1x128xi32, #tpu.memory_space<vmem>> -> memref<128xi32, #tpu.memory_space<vmem>>
    %dma_wait3A_117 = arith.constant 0 : i32
    %dma_wait3A_118 = arith.constant 0 : i32
    %dma_wait3A_119 = tpu.memref_slice %arg8[%dma_wait3A_117, %dma_wait3A_118] : memref<10008x128xf32, #tpu.memory_space<vmem_shared>> -> memref<10008x128xf32, #tpu.memory_space<vmem_shared>>
    tpu.wait_indirect_dma semaphore(%arg16 : memref<!tpu.dma_semaphore, #tpu.memory_space<semaphore_mem>>) src(%dma_wait3A_109 : memref<128x128xf32, #tpu.memory_space<vmem>>) dst(%dma_wait3A_119 : memref<10008x128xf32, #tpu.memory_space<vmem_shared>>)
    %barrier3A_120 = arith.constant 0 : index
    tpu.barrier barrier_id(%barrier3A_120)
    %lt3A_121 = arith.constant 15 : i32
    %lt3A_122 = arith.cmpi slt, %arg1, %lt3A_121 : i32
    %convert_element_type3A_123 = arith.extui %lt3A_122 : i1 to i32
    %cond3A_124 = arith.constant 0 : i32
    %cond3A_125 = arith.cmpi ne, %convert_element_type3A_123, %cond3A_124 : i32
    scf.if %cond3A_125 {
      "tpu.region"() ({
        %run_scoped3A = tpu.sem_alloc : memref<!tpu.dma_semaphore, #tpu.memory_space<semaphore_mem>>
        %dma_start3A_131 = arith.constant 0 : i32
        %dma_start3A_132 = arith.constant 0 : i32
        %dma_start3A_133 = tpu.memref_slice %arg5[%arg0, %dma_start3A_131, %dma_start3A_132] : memref<2x10000x128xf32, #tpu.memory_space<hbm>> -> memref<1x10000x128xf32, #tpu.memory_space<hbm>>
        %dma_start3A_134 = tpu.memref_squeeze %dma_start3A_133 : memref<1x10000x128xf32, #tpu.memory_space<hbm>> -> memref<10000x128xf32, #tpu.memory_space<hbm>>
        %dma_start3A_135 = arith.constant 0 : i32
        %dma_start3A_136 = tpu.memref_slice %dma_start3A_134[%mul3A_0, %dma_start3A_135] : memref<10000x128xf32, #tpu.memory_space<hbm>> -> memref<632x128xf32, #tpu.memory_space<hbm>>
        %dma_start3A_137 = arith.constant 0 : i32
        %dma_start3A_138 = tpu.memref_slice %arg8[%mul3A_0, %dma_start3A_137] : memref<10008x128xf32, #tpu.memory_space<vmem_shared>> -> memref<632x128xf32, #tpu.memory_space<vmem_shared>>
        tpu.enqueue_dma source(%dma_start3A_138 : memref<632x128xf32, #tpu.memory_space<vmem_shared>>) target(%dma_start3A_136 : memref<632x128xf32, #tpu.memory_space<hbm>>) target_semaphore(%run_scoped3A : memref<!tpu.dma_semaphore, #tpu.memory_space<semaphore_mem>>)
        %dma_wait3A_139 = arith.constant 0 : i32
        %dma_wait3A_140 = arith.constant 0 : i32
        %dma_wait3A_141 = tpu.memref_slice %arg5[%arg0, %dma_wait3A_139, %dma_wait3A_140] : memref<2x10000x128xf32, #tpu.memory_space<hbm>> -> memref<1x10000x128xf32, #tpu.memory_space<hbm>>
        %dma_wait3A_142 = tpu.memref_squeeze %dma_wait3A_141 : memref<1x10000x128xf32, #tpu.memory_space<hbm>> -> memref<10000x128xf32, #tpu.memory_space<hbm>>
        %dma_wait3A_143 = arith.constant 0 : i32
        %dma_wait3A_144 = tpu.memref_slice %dma_wait3A_142[%mul3A_0, %dma_wait3A_143] : memref<10000x128xf32, #tpu.memory_space<hbm>> -> memref<632x128xf32, #tpu.memory_space<hbm>>
        %dma_wait3A_145 = arith.constant 0 : i32
        %dma_wait3A_146 = tpu.memref_slice %arg8[%mul3A_0, %dma_wait3A_145] : memref<10008x128xf32, #tpu.memory_space<vmem_shared>> -> memref<632x128xf32, #tpu.memory_space<vmem_shared>>
        tpu.wait_dma2 semaphore(%run_scoped3A : memref<!tpu.dma_semaphore, #tpu.memory_space<semaphore_mem>>) src(%dma_wait3A_146 : memref<632x128xf32, #tpu.memory_space<vmem_shared>>) dst(%dma_wait3A_144 : memref<632x128xf32, #tpu.memory_space<hbm>>)
        tpu.yield
      }) : () -> ()
    } else {
    }
    %eq3A_126 = arith.constant 15 : i32
    %eq3A_127 = arith.cmpi eq, %arg1, %eq3A_126 : i32
    %convert_element_type3A_128 = arith.extui %eq3A_127 : i1 to i32
    %cond3A_129 = arith.constant 0 : i32
    %cond3A_130 = arith.cmpi ne, %convert_element_type3A_128, %cond3A_129 : i32
    scf.if %cond3A_130 {
      "tpu.region"() ({
        %run_scoped3A = tpu.sem_alloc : memref<!tpu.dma_semaphore, #tpu.memory_space<semaphore_mem>>
        %dma_start3A_131 = arith.constant 0 : i32
        %dma_start3A_132 = arith.constant 0 : i32
        %dma_start3A_133 = tpu.memref_slice %arg5[%arg0, %dma_start3A_131, %dma_start3A_132] : memref<2x10000x128xf32, #tpu.memory_space<hbm>> -> memref<1x10000x128xf32, #tpu.memory_space<hbm>>
        %dma_start3A_134 = tpu.memref_squeeze %dma_start3A_133 : memref<1x10000x128xf32, #tpu.memory_space<hbm>> -> memref<10000x128xf32, #tpu.memory_space<hbm>>
        %dma_start3A_135 = arith.constant 9480 : i32
        %dma_start3A_136 = arith.constant 0 : i32
        %dma_start3A_137 = tpu.memref_slice %dma_start3A_134[%dma_start3A_135, %dma_start3A_136] : memref<10000x128xf32, #tpu.memory_space<hbm>> -> memref<520x128xf32, #tpu.memory_space<hbm>>
        %dma_start3A_138 = arith.constant 9480 : i32
        %dma_start3A_139 = arith.constant 0 : i32
        %dma_start3A_140 = tpu.memref_slice %arg8[%dma_start3A_138, %dma_start3A_139] : memref<10008x128xf32, #tpu.memory_space<vmem_shared>> -> memref<520x128xf32, #tpu.memory_space<vmem_shared>>
        tpu.enqueue_dma source(%dma_start3A_140 : memref<520x128xf32, #tpu.memory_space<vmem_shared>>) target(%dma_start3A_137 : memref<520x128xf32, #tpu.memory_space<hbm>>) target_semaphore(%run_scoped3A : memref<!tpu.dma_semaphore, #tpu.memory_space<semaphore_mem>>)
        %dma_wait3A_141 = arith.constant 0 : i32
        %dma_wait3A_142 = arith.constant 0 : i32
        %dma_wait3A_143 = tpu.memref_slice %arg5[%arg0, %dma_wait3A_141, %dma_wait3A_142] : memref<2x10000x128xf32, #tpu.memory_space<hbm>> -> memref<1x10000x128xf32, #tpu.memory_space<hbm>>
        %dma_wait3A_144 = tpu.memref_squeeze %dma_wait3A_143 : memref<1x10000x128xf32, #tpu.memory_space<hbm>> -> memref<10000x128xf32, #tpu.memory_space<hbm>>
        %dma_wait3A_145 = arith.constant 9480 : i32
        %dma_wait3A_146 = arith.constant 0 : i32
        %dma_wait3A_147 = tpu.memref_slice %dma_wait3A_144[%dma_wait3A_145, %dma_wait3A_146] : memref<10000x128xf32, #tpu.memory_space<hbm>> -> memref<520x128xf32, #tpu.memory_space<hbm>>
        %dma_wait3A_148 = arith.constant 9480 : i32
        %dma_wait3A_149 = arith.constant 0 : i32
        %dma_wait3A_150 = tpu.memref_slice %arg8[%dma_wait3A_148, %dma_wait3A_149] : memref<10008x128xf32, #tpu.memory_space<vmem_shared>> -> memref<520x128xf32, #tpu.memory_space<vmem_shared>>
        tpu.wait_dma2 semaphore(%run_scoped3A : memref<!tpu.dma_semaphore, #tpu.memory_space<semaphore_mem>>) src(%dma_wait3A_150 : memref<520x128xf32, #tpu.memory_space<vmem_shared>>) dst(%dma_wait3A_147 : memref<520x128xf32, #tpu.memory_space<hbm>>)
        tpu.yield
      }) : () -> ()
    } else {
    }
    return
  }
}

module attributes {stable_mosaic.version = 14 : i64} {
  func.func @body(%arg0: i32, %arg1: memref<2x1000x128xf32, #tpu.memory_space<vmem>>, %arg2: memref<1000x256xf32, #tpu.memory_space<vmem>>, %arg3: memref<256x256xf32, #tpu.memory_space<vmem>>, %arg4: memref<1x256xf32, #tpu.memory_space<vmem>>, %arg5: memref<1x256xf32, #tpu.memory_space<vmem>>, %arg6: memref<1000x256xf32, #tpu.memory_space<vmem>>) attributes {dimension_semantics = [#tpu.dimension_semantics<arbitrary>], iteration_bounds = array<i64: 10>, scalar_prefetch = 0 : i64, scratch_operands = 0 : i64, tpu.core_type = #tpu.core_type<tc>, window_params = [{transform_indices = @transform_0, window_bounds = array<i64: 2, 1000, 128>}, {transform_indices = @transform_1, window_bounds = array<i64: 1000, 256>}, {pipeline_mode = #tpu.pipeline_mode<synchronous>, transform_indices = @transform_2, window_bounds = array<i64: 256, 256>}, {pipeline_mode = #tpu.pipeline_mode<synchronous>, transform_indices = @transform_3, window_bounds = array<i64: 1, 256>}, {pipeline_mode = #tpu.pipeline_mode<synchronous>, transform_indices = @transform_4, window_bounds = array<i64: 1, 256>}, {transform_indices = @transform_5, window_bounds = array<i64: 1000, 256>}]} {
    %get3A = arith.constant 0 : index
    %get3A_0 = arith.constant 0 : index
    %get3A_1 = arith.constant 0 : index
    %get3A_2 = vector.load %arg1[%get3A, %get3A_0, %get3A_1] : memref<2x1000x128xf32, #tpu.memory_space<vmem>>, vector<1x1000x128xf32>
    %get3A_3 = vector.shape_cast %get3A_2 : vector<1x1000x128xf32> to vector<1000x128xf32>
    %get3A_4 = arith.constant 0 : index
    %get3A_5 = arith.constant 0 : index
    %get3A_6 = vector.load %arg3[%get3A_4, %get3A_5] : memref<256x256xf32, #tpu.memory_space<vmem>>, vector<256x128xf32>
    %dot_general3A = arith.constant dense<0.000000e+00> : vector<1000x256xf32>
    %dot_general3A_7 = tpu.matmul %get3A_3, %get3A_6, %dot_general3A {dimension_numbers = #tpu.dot_dimension_numbers<[1], [1], [0], [0], [0, 0, 1, 0], [], []>, transpose_lhs_hint = false} : vector<1000x128xf32>, vector<256x128xf32>, vector<1000x256xf32> -> vector<1000x256xf32>
    %get3A_8 = arith.constant 1 : index
    %get3A_9 = arith.constant 0 : index
    %get3A_10 = arith.constant 0 : index
    %get3A_11 = vector.load %arg1[%get3A_8, %get3A_9, %get3A_10] : memref<2x1000x128xf32, #tpu.memory_space<vmem>>, vector<1x1000x128xf32>
    %get3A_12 = vector.shape_cast %get3A_11 : vector<1x1000x128xf32> to vector<1000x128xf32>
    %get3A_13 = arith.constant 0 : index
    %get3A_14 = arith.constant 128 : index
    %get3A_15 = vector.load %arg3[%get3A_13, %get3A_14] : memref<256x256xf32, #tpu.memory_space<vmem>>, vector<256x128xf32>
    %dot_general3A_16 = arith.constant dense<0.000000e+00> : vector<1000x256xf32>
    %dot_general3A_17 = tpu.matmul %get3A_12, %get3A_15, %dot_general3A_16 {dimension_numbers = #tpu.dot_dimension_numbers<[1], [1], [0], [0], [0, 0, 1, 0], [], []>, transpose_lhs_hint = false} : vector<1000x128xf32>, vector<256x128xf32>, vector<1000x256xf32> -> vector<1000x256xf32>
    %add3A = arith.addf %dot_general3A_7, %dot_general3A_17 : vector<1000x256xf32>
    %max3A = arith.constant 0.000000e+00 : f32
    %max3A_18 = vector.broadcast %max3A : f32 to vector<1000x256xf32>
    %max3A_19 = arith.maximumf %add3A, %max3A_18 : vector<1000x256xf32>
    %get3A_20 = arith.constant 0 : index
    %get3A_21 = arith.constant 0 : index
    %get3A_22 = vector.load %arg2[%get3A_20, %get3A_21] : memref<1000x256xf32, #tpu.memory_space<vmem>>, vector<1000x256xf32>
    %add3A_23 = arith.addf %max3A_19, %get3A_22 : vector<1000x256xf32>
    %reduce_sum3A = arith.constant dense<0.000000e+00> : vector<1000xf32>
    %reduce_sum3A_24 = vector.multi_reduction <add>, %add3A_23, %reduce_sum3A [1] : vector<1000x256xf32> to vector<1000xf32>
    %broadcast_in_dim3A = vector.shape_cast %reduce_sum3A_24 : vector<1000xf32> to vector<1000x1xf32>
    %div3A = arith.constant 2.560000e+02 : f32
    %div3A_25 = vector.broadcast %div3A : f32 to vector<1000x1xf32>
    %div3A_26 = arith.divf %broadcast_in_dim3A, %div3A_25 : vector<1000x1xf32>
    %sub3A = vector.broadcast %div3A_26 : vector<1000x1xf32> to vector<1000x256xf32>
    %sub3A_27 = arith.subf %add3A_23, %sub3A : vector<1000x256xf32>
    %mul3A = arith.mulf %sub3A_27, %sub3A_27 : vector<1000x256xf32>
    %reduce_sum3A_28 = arith.constant dense<0.000000e+00> : vector<1000xf32>
    %reduce_sum3A_29 = vector.multi_reduction <add>, %mul3A, %reduce_sum3A_28 [1] : vector<1000x256xf32> to vector<1000xf32>
    %broadcast_in_dim3A_30 = vector.shape_cast %reduce_sum3A_29 : vector<1000xf32> to vector<1000x1xf32>
    %div3A_31 = arith.constant 2.560000e+02 : f32
    %div3A_32 = vector.broadcast %div3A_31 : f32 to vector<1000x1xf32>
    %div3A_33 = arith.divf %broadcast_in_dim3A_30, %div3A_32 : vector<1000x1xf32>
    %add3A_34 = arith.constant 9.99999974E-6 : f32
    %add3A_35 = vector.broadcast %add3A_34 : f32 to vector<1000x1xf32>
    %add3A_36 = arith.addf %div3A_33, %add3A_35 : vector<1000x1xf32>
    %rsqrt3A = math.rsqrt %add3A_36 : vector<1000x1xf32>
    %mul3A_37 = vector.broadcast %rsqrt3A : vector<1000x1xf32> to vector<1000x256xf32>
    %mul3A_38 = arith.mulf %sub3A_27, %mul3A_37 : vector<1000x256xf32>
    %get3A_39 = arith.constant 0 : index
    %get3A_40 = arith.constant 0 : index
    %get3A_41 = vector.load %arg4[%get3A_39, %get3A_40] : memref<1x256xf32, #tpu.memory_space<vmem>>, vector<1x256xf32>
    %mul3A_42 = vector.broadcast %get3A_41 : vector<1x256xf32> to vector<1000x256xf32>
    %mul3A_43 = arith.mulf %mul3A_38, %mul3A_42 : vector<1000x256xf32>
    %get3A_44 = arith.constant 0 : index
    %get3A_45 = arith.constant 0 : index
    %get3A_46 = vector.load %arg5[%get3A_44, %get3A_45] : memref<1x256xf32, #tpu.memory_space<vmem>>, vector<1x256xf32>
    %add3A_47 = vector.broadcast %get3A_46 : vector<1x256xf32> to vector<1000x256xf32>
    %add3A_48 = arith.addf %mul3A_43, %add3A_47 : vector<1000x256xf32>
    %swap3A = arith.constant 0 : index
    %swap3A_49 = arith.constant 0 : index
    %swap3A_50 = vector.load %arg6[%swap3A, %swap3A_49] : memref<1000x256xf32, #tpu.memory_space<vmem>>, vector<1000x256xf32>
    tpu.vector_store %arg6[%swap3A, %swap3A_49], %add3A_48 {strides = array<i32>} : memref<1000x256xf32, #tpu.memory_space<vmem>>, vector<1000x256xf32>,
    return
  }
  func.func @transform_0(%arg0: i32) -> (i32, i32, i32) {
    %c0_i32 = arith.constant 0 : i32
    %c0_i32_0 = arith.constant 0 : i32
    %c0_i32_1 = arith.constant 0 : i32
    return %c0_i32, %arg0, %c0_i32_0 : i32, i32, i32
  }
  func.func @transform_1(%arg0: i32) -> (i32, i32) {
    %c0_i32 = arith.constant 0 : i32
    %c0_i32_0 = arith.constant 0 : i32
    return %arg0, %c0_i32 : i32, i32
  }
  func.func @transform_2(%arg0: i32) -> (i32, i32) {
    %c0_i32 = arith.constant 0 : i32
    %c0_i32_0 = arith.constant 0 : i32
    %c0_i32_1 = arith.constant 0 : i32
    return %c0_i32, %c0_i32_0 : i32, i32
  }
  func.func @transform_3(%arg0: i32) -> (i32, i32) {
    %c0_i32 = arith.constant 0 : i32
    %c0_i32_0 = arith.constant 0 : i32
    %c0_i32_1 = arith.constant 0 : i32
    return %c0_i32, %c0_i32_0 : i32, i32
  }
  func.func @transform_4(%arg0: i32) -> (i32, i32) {
    %c0_i32 = arith.constant 0 : i32
    %c0_i32_0 = arith.constant 0 : i32
    %c0_i32_1 = arith.constant 0 : i32
    return %c0_i32, %c0_i32_0 : i32, i32
  }
  func.func @transform_5(%arg0: i32) -> (i32, i32) {
    %c0_i32 = arith.constant 0 : i32
    %c0_i32_0 = arith.constant 0 : i32
    return %arg0, %c0_i32 : i32, i32
  }
}

</mosaic_0001>

<sc_bundles>
// kernel: kernel.4.cloned.1.call-start
scs
__scs_entry_jumppad:
0x0: {  	(pc) =	sbr.rel $0x88, $3  }
0x1: {  	(tag) =	ssettag $0x0;
	lr =	simm.s32 $0x1  }
0x2: {  	[smem:$0x3F9C] =	sst lr;
	_ =	strace $0xD0000000  }
0x3: {  	_ = 	snop  }
0x4: {  	_ = 	snop  }
0x5: {  	_ = 	snop  }
0x6: {  	_ = 	snop  }
0x7: {  	_ = 	snop  }
__scs_overlays_trampoline_lowered:
0x8: {  	[smem:$0x3FAB] =	sst s0  }
0x9: {  	[smem:$0x3FAC] =	sst s1  }
0xa: {  	[smem:$0x3FAD] =	sst s2  }
0xb: {  	[smem:$0x3FAE] =	sst s3  }
0xc: {  	[smem:$0x3FAF] =	sst s4  }
0xd: {  	[smem:$0x3FB0] =	sst s5  }
0xe: {  	[smem:$0x3FB1] =	sst s6  }
0xf: {  	[smem:$0x3FB2] =	sst s7  }
0x10: {  	[smem:$0x3FB3] =	sst s8  }
0x11: {  	[smem:$0x3FB4] =	sst s9;
	s0 =	simm.s32 @!p0 $0x0  }
0x12: {  	s1 =	sld [smem:$0x3F9A];
	s0 =	simm.s32 @p0 $0x1  }
0x13: {  	[smem:$0x3FB5] =	sst s0;
	s0 =	simm.s32 @!p1 $0x0  }
0x14: {  	s2 =	sld [smem:$0x3F99];
	s0 =	simm.s32 @p1 $0x1  }
0x15: {  	[smem:$0x3FB6] =	sst s0;
	s0 =	simm.s32 @!p2 $0x0  }
0x16: {  	s3 =	sld [smem:$0x3FDB];
	s0 =	simm.s32 @p2 $0x1  }
0x17: {  	s4 =	simm.s32 $0x1BF5;
	[smem:$0x3FB8] =	sst s0  }
0x18: {  	s0 =	sld [smem:$0x3F9B];
	_ =	swait.ge [sflag:s4], $0x0  }
0x19: {  	s7 =	sld [smem:$0x3F9C]  }
0x1a: {  	s8 =	sadd.s32 $0xFFFFE003, lr  }
0x1b: {  	s9 =	sadd.s32 $0xFFFFFEF7, lr;
	s5 =	simm.s32 $0xFFFFFFFF;
	p2 =	slt.u32 s8, $0xFFFFF086  }
0x1c: {  	p1 =	slt.u32 s9, $0xF7A;
	s5 =	simm.s32 @!p2 $0x0  }
0x1d: {  	s5 =	simm.s32 @p1 $0x1;
	p0 =	seq.s32 s7, s2  }
0x1e: {  	s7 =	smul.u32 @!p0 $0xF7A, s2;
	p2 =	seq.s32 @!p0 s5, $0x0  }
0x1f: {  	s9 =	smul.u32 $0xF7A, s1;
	s8 =	simm.s32 @!p0 $0x1BF5;
	p2 =	por !p2, p0  }
0x20: {  	[sflag:s8] =	ssyncset.s32 @!p0 $0xFFFFF086;
	s6 =	sadd.s32 @!p0 s3, s7;
	s7 =	simm.s32 @!p0 $0x108  }
0x21: {  	s3 =	sadd.s32 s3, s9;
	s6 =	sadd.s32 @!p0 $0x88, s6;
	s7 =	simm.s32 @p2 $0x1082  }
0x22: {  	[simem:s7], [sflag:s8] =	dma.local @!p0 [hbm:s6], $0xF7A  }
0x23: {  	s9 =	sor.u32 $0xD0000000, s2;
	s6 =	simm.s32 $0x108;
	_ =	swait.ge @!p0 [sflag:s8], $0x0  }
0x24: {  	s3 =	sadd.s32 $0x88, s3;
	s6 =	simm.s32 @!p1 $0x1082;
	[sflag:s4] =	ssyncset.s32 $0xFFFFF086  }
0x25: {  	[simem:s6], [sflag:s4] =	dma.local [hbm:s3], $0xF7A  }
0x26: {  	[smem:$0x3F9C] =	sst s1;
	(tag) =	ssettag s2;
	_ =	strace s9  }
0x27: {  	s1 =	sld [smem:$0x3FAC]  }
0x28: {  	s2 =	sld [smem:$0x3FAD]  }
0x29: {  	s4 =	sld [smem:$0x3FAF]  }
0x2a: {  	p0 =	seq.s32 s5, $0x0;
	s5 =	sld [smem:$0x3FB0]  }
0x2b: {  	s6 =	sld [smem:$0x3FB1]  }
0x2c: {  	s7 =	sld [smem:$0x3FB2]  }
0x2d: {  	s3 =	simm.s32 $0x108;
	s8 =	sld [smem:$0x3FB3]  }
0x2e: {  	s3 =	simm.s32 @!p0 $0x1082;
	s9 =	sld [smem:$0x3FB4]  }
0x2f: {  	lr =	sadd.s32 s0, s3;
	s0 =	sld [smem:$0x3FAB]  }
0x30: {  	s3 =	sld [smem:$0x3FAE]  }
0x31: {  	[smem:$0x3FB7] =	sst s10  }
0x32: {  	s10 =	sld [smem:$0x3FB5];
	_ =	sdelay $0x3  }
0x33: {  	p0 =	seq.s32 s10, $0x1;
	s10 =	sld [smem:$0x3FB7];
	_ =	sdelay $0x3  }
0x34: {  	[smem:$0x3FB7] =	sst s10  }
0x35: {  	s10 =	sld [smem:$0x3FB6];
	_ =	sdelay $0x3  }
0x36: {  	p1 =	seq.s32 s10, $0x1;
	s10 =	sld [smem:$0x3FB7];
	_ =	sdelay $0x3  }
0x37: {  	[smem:$0x3FB7] =	sst s10  }
0x38: {  	s10 =	sld [smem:$0x3FB8]  }
0x39: {  	_ = 	snop;
	(pc) =	sbr.ind lr, $3  }
0x3a: {  	_ = 	snop  }
0x3b: {  	_ = 	snop  }
0x3c: {  	p2 =	seq.s32 s10, $0x1;
	s10 =	sld [smem:$0x3FB7]  }
0x3d: {  	_ =	shalt  }
0x3e: {  	_ =	shalt  }
0x3f: {  	_ =	shalt  }
0x40: {  	_ =	shalt  }
0x41: {  	_ =	shalt  }
0x42: {  	_ =	shalt  }
0x43: {  	_ =	shalt  }
0x44: {  	_ =	shalt  }
0x45: {  	_ =	shalt  }
0x46: {  	_ =	shalt  }
0x47: {  	_ =	shalt  }
0x48: {  	_ =	shalt  }
0x49: {  	_ =	shalt  }
0x4a: {  	_ =	shalt  }
0x4b: {  	_ =	shalt  }
0x4c: {  	_ =	shalt  }
0x4d: {  	_ =	shalt  }
0x4e: {  	_ =	shalt  }
0x4f: {  	_ =	shalt  }
0x50: {  	_ =	shalt  }
0x51: {  	_ =	shalt  }
0x52: {  	_ =	shalt  }
0x53: {  	_ =	shalt  }
0x54: {  	_ =	shalt  }
0x55: {  	_ =	shalt  }
0x56: {  	_ =	shalt  }
0x57: {  	_ =	shalt  }
0x58: {  	_ =	shalt  }
0x59: {  	_ =	shalt  }
0x5a: {  	_ =	shalt  }
0x5b: {  	_ =	shalt  }
0x5c: {  	_ =	shalt  }
0x5d: {  	_ =	shalt  }
0x5e: {  	_ =	shalt  }
0x5f: {  	_ =	shalt  }
0x60: {  	_ =	shalt  }
0x61: {  	_ =	shalt  }
0x62: {  	_ =	shalt  }
0x63: {  	_ =	shalt  }
0x64: {  	_ =	shalt  }
0x65: {  	_ =	shalt  }
0x66: {  	_ =	shalt  }
0x67: {  	_ =	shalt  }
0x68: {  	_ =	shalt  }
0x69: {  	_ =	shalt  }
0x6a: {  	_ =	shalt  }
0x6b: {  	_ =	shalt  }
0x6c: {  	_ =	shalt  }
0x6d: {  	_ =	shalt  }
0x6e: {  	_ =	shalt  }
0x6f: {  	_ =	shalt  }
0x70: {  	_ =	shalt  }
0x71: {  	_ =	shalt  }
0x72: {  	_ =	shalt  }
0x73: {  	_ =	shalt  }
0x74: {  	_ =	shalt  }
0x75: {  	_ =	shalt  }
0x76: {  	_ =	shalt  }
0x77: {  	_ =	shalt  }
0x78: {  	_ =	shalt  }
0x79: {  	_ =	shalt  }
0x7a: {  	_ =	shalt  }
0x7b: {  	_ =	shalt  }
0x7c: {  	_ =	shalt  }
0x7d: {  	_ =	shalt  }
0x7e: {  	_ =	shalt  }
0x7f: {  	_ =	shalt  }
0x80: {  	_ =	shalt  }
0x81: {  	_ =	shalt  }
0x82: {  	_ =	shalt  }
0x83: {  	_ =	shalt  }
0x84: {  	_ =	shalt  }
0x85: {  	_ =	shalt  }
0x86: {  	_ =	shalt  }
0x87: {  	_ =	shalt  }
.Lfunc_end0:
.L_simem_size_0:
called_computation_lowered:
.L_overlay_start_0:
0x88: {  	s2 =	sld [smem:$0x3FD9]  }
0x89: {  	s3 =	sld [smem:$0x3FFE];
	_ =	sdelay $0x1  }
0x8a: {  	s1 =	srdreg.scid  }
0x8b: {  	s0 =	sand.u32 $0x1, s1  }
0x8c: {  	s17 =	sshll.u32 s0, $0xA;
	s2 =	sadd.s32 s3, s2  }
0x8d: {  	s2 =	sadd.s32 s2, s17  }
0x8e: {  	[smem:$0x3FC3] =	sst s2  }
0x8f: {  	_ = 	snop  }
0x90: {  	s2 =	sld [smem:$0x3FD0];
	(tm) =	ssettm $0x1  }
0x91: {  	s18 =	sld [smem:$0x3FFB];
	_ =	sdelay $0x3  }
0x92: {  	_ =	strace s18  }
0x93: {  	s3 =	sld [smem:$0x3FFC];
	_ =	sdelay $0x3  }
0x94: {  	_ =	strace s3  }
0x95: {  	s3 =	sld [smem:$0x3FFD];
	_ =	sdelay $0x3  }
0x96: {  	_ =	strace s3  }
0x97: {  	_ =	strace $0x8FFFFFFF  }
0x98: {  	s19 =	sld [smem:$0x3FDB];
	_ =	sdelay $0x1  }
0x99: {  	s4 =	simm.s32 $_scs_section_size  }
0x9a: {  	s5 =	simm.s32 $_size__tile_overlayer_lowered;
	s6 =	simm.s32 $_tile_overlayer_lowered  }
0x9b: {  	s22 =	simm.s32 $0x1BFF;
	s21 =	sshll.u32 s6, $0x1;
	s3 =	sadd.s32 s4, s19  }
0x9c: {  	s7 =	simm.s32 $0x0;
	s20 =	sshll.u32 s5, $0x1;
	s5 =	sadd.s32 s21, s3  }
0x9d: {  	[timem:s7], [sflag:s22] =	dma.local [hbm:s5], s20  }
0x9e: {  	_ =	swait.ge [sflag:s22], s20  }
0x9f: {  	s4 =	ssub.s32 $0x0, s20;
	[sflag:s22] =	ssyncset.done $0x0  }
0xa0: {  	[sflag:s22] =	ssyncadd.s32 s4;
	_ =	sdelay $0x1  }
0xa1: {  	s23 =	simm.s32 $0x1B8B  }
0xa2: {  	_ =	swait.ge [sflag:s23], $0x1  }
0xa3: {  	[sflag:s23] =	ssyncset.done $0x0  }
0xa4: {  	s25 =	simm.s32 $0x1B8E;
	s24 =	sld [smem:$0x3FFE];
	[sflag:s23] =	ssyncadd.s32 $0xFFFFFFFF  }
0xa5: {  	s26 =	simm.s32 $execute0_lowered;
	[smem:$0x3FD2] =	sst s25  }
0xa6: {  	s5 =	sshll.u32 s26, $0x1;
	_ =	strace $0x80000046;
	[dreg:$0x1] =	wrdreg $0xFFFFFFFF  }
0xa7: {  	s28 =	simm.s32 $_size_execute0_lowered;
	s3 =	sadd.s32 s3, s5;
	[dreg:$0x0] =	wrdreg $0x0  }
0xa8: {  	s5 =	sshll.u32 s28, $0x1;
	[dreg:$0x2] =	wrdreg s3  }
0xa9: {  	[dreg:$0x3] =	wrdreg s5  }
0xaa: {  	[dreg:$0x4] =	wrdreg $0xC0  }
0xab: {  	_ =	task [dreg:s7], $0x5FFFF  }
0xac: {  	[dreg:$0x1] =	wrdreg $0xFFFFFFFF  }
0xad: {  	[dreg:$0x0] =	wrdreg $0x60  }
0xae: {  	[dreg:$0x2] =	wrdreg s2  }
0xaf: {  	[dreg:$0x3] =	wrdreg s24  }
0xb0: {  	[dreg:$0x4] =	wrdreg $0x84000  }
0xb1: {  	[dreg:$0x5] =	wrdreg $0x9  }
0xb2: {  	_ =	task.clear_ibuf [dreg:s7], $0x6FFFF;
	_ =	strace $0x90000046  }
0xb3: {  	s29 =	simm.s32 $0x9;
	_ =	strace $0x80000048  }
0xb4: {  	_ =	swait.ge [sflag:s29], $0x1  }
0xb5: {  	[sflag:s29] =	ssyncadd.s32 $0xFFFFFFFF  }
0xb6: {  	_ =	strace $0x90000048  }
0xb7: {  	_ =	sfence  }
0xb8: {  	s30 =	sld [smem:$0x0];
	_ =	sdelay $0x2  }
0xb9: {  	s31 =	sshll.u32 s1, $0xD;
	s1 =	sshrl.u32 s1, $0x2  }
0xba: {  	s3 =	sand.u32 $0x4000, s31;
	s1 =	sadd.s32 s1, s30  }
0xbb: {  	s0 =	sor.u32 s3, s0;
	s1 =	sshll.u32 s1, $0x11  }
0xbc: {  	s0 =	sor.u32 s1, s0  }
0xbd: {  	s0 =	sadd.s32 $0x8F2B, s0  }
0xbe: {  	[sflag:s0] =	ssyncadd.remote.s32 $0x1  }
0xbf: {  	_ =	sfence.sel $0xFFFF  }
0xc0: {  	[dreg:$0x0] =	wrdreg $0xFFFFFFFF;
	(pc) =	sbr.abs _section_cstart, $3  }
0xc1: {  	[dreg:$0x1] =	wrdreg $0xFFFFFFFF  }
0xc2: {  	_ =	task.clear_ibuf [dreg:s7], $0x2FFFF;
	_ =	strace $0x9FFFFFFF  }
0xc3: {  	(tm) =	ssettm $0x7FFFFFFF  }
tec
execute0_lowered:
.L_overlay_start_1:
0x0: {  	(tag) =	ssettag $0x1  }
0x1: {  	s0 =	rddreg [dreg:$0x0]  }
0x2: {  	s1 =	rddreg [dreg:$0x1]  }
0x3: {  	s2 =	rddreg [dreg:$0x2]  }
0x4: {  	s3 =	simm.s32 $0x0;
	s10 =	stileid.u32;
	s5 =	srdreg.scid  }
0x5: {  	s15 =	simm.s32 $0x100;
	s16 =	simm.s32 $0x200;
	s17 =	simm.s32 $0x300  }
0x6: {  	s18 =	simm.s32 $0x1;
	s24 =	simm.s32 $0x180;
	s25 =	simm.s32 $0x280  }
0x7: {  	s26 =	simm.s32 $0x380;
	s28 =	simm.s32 $0x3;
	s29 =	simm.s32 $0x8  }
0x8: {  	s30 =	simm.s32 $0x4;
	s31 =	simm.s32 $0x0;
	[smem:$0x7FF] =	sst s3  }
0x9: {  	s4 =	smul.u32 $0xA00, s10;
	s5 =	sand.u32 $0x1, s5;
	s19 =	sadd.s32 $0xB200, s1  }
0xa: {  	s6 =	smul.u32 $0x4F000, s10;
	_ =	strace $0x80000047;
	[dreg:$0x7] =	wrdreg s19  }
0xb: {  	s12 =	sadd.s32 $0x128400, s2;
	p0 =	seq.s32 s10, $0xF;
	[dreg:$0x4] =	wrdreg s24  }
0xc: {  	s8 =	smul.u32 $0x27100, s5;
	s5 =	ssub.s32 $0x2, s5;
	[dreg:$0x5] =	wrdreg s25  }
0xd: {  	s12 =	sshrl.u32 @p0 s12, $0x3;
	s19 =	simm.s32 $0x80;
	[dreg:$0x6] =	wrdreg s26  }
0xe: {  	s24 =	simm.s32 $0x6;
	s26 =	simm.s32 $0x7;
	s7 =	sadd.s32 s4, s1  }
0xf: {  	s9 =	sshrl.u32 s5, $0x1;
	s6 =	sshrl.u32 s6, $0x2;
	s1 =	sadd.s32 s8, s1  }
0x10: {  	s11 =	ssub.s32 s5, s9;
	s6 =	sadd.s32 s6, s2;
	s20 =	sadd.s32 $0x1220, s7  }
0x11: {  	s5 =	sadd.s32 $0x1200, s7;
	s21 =	sadd.s32 $0x1240, s7;
	[dreg:$0x8] =	wrdreg s20  }
0x12: {  	s22 =	sadd.s32 $0x1260, s7;
	s9 =	sadd.s32 s0, s8;
	[dreg:$0x9] =	wrdreg s21  }
0x13: {  	s0 =	smul.u32 $0x2780, s10;
	[dreg:$0xa] =	wrdreg s22;
	s4 =	sadd.s32 $0xDA00, s1  }
0x14: {  	s23 =	smax.u32 s11, $0x1;
	s1 =	sshll.u32 @!p0 s10, $0x6;
	s14 =	sshrl.u32 @!p0 s6, $0x3  }
0x15: {  	s20 =	simm.s32 $0x400;
	s21 =	simm.s32 $0x5;
	[dreg:$0xc] =	wrdreg s23  }
0x16: {  	s22 =	simm.s32 $0x2;
	[dreg:$0xb] =	wrdreg s4;
	s0 =	sadd.s32 @!p0 s0, s4  }
0x17: {  	s13 =	sor.u32 @!p0 $0x1C09, s1;
	s23 =	simm.s32 $0x4400;
	[dreg:$0xd] =	wrdreg s0  }
.LBB2_1:
0x18: {  	s0 =	simm.s32 @p0 $0x1FC9;
	s1 =	rddreg [dreg:$0x7]  }
0x19: {  	[spmem:s12], [sflag:s0] =	dma.local @p0 [hbm:s1], $0x2100  }
0x1a: {  	s0 =	simm.s32 @p0 $0x9  }
0x1b: {  	_ =	swait.ge @p0 [sflag:s0], $0x2100  }
0x1c: {  	[sflag:s0] =	ssyncset.done @p0 $0x0  }
0x1d: {  	[sflag:s0] =	ssyncadd.s32 @p0 $0xFFFFDF00;
	s0 =	simm.s32 @!p0 $0x9  }
0x1e: {  	[spmem:s14], [sflag:s13] =	dma.local @!p0 [hbm:s1], $0x2780  }
0x1f: {  	_ =	swait.ge @!p0 [sflag:s0], $0x2780  }
0x20: {  	[sflag:s0] =	ssyncset.done @!p0 $0x0  }
0x21: {  	[sflag:s0] =	ssyncadd.s32 @!p0 $0xFFFFD880  }
0x22: {  	[bflag:$0x0] =	sbarrier.arrive $0xFFFF  }
0x23: {  	[tilespmem:s3], [sflag:$0x1] =	stream.linear.gather [hbm4b:s5+s3], $0x100, $0x38;
	[tilespmem:$0x1BCC0] =	vst v63  }
0x24: {  	p2 =	por $0x1, $0x1;
	s7 =	rddreg [dreg:$0x8]  }
0x25: {  	[tilespmem:s15], [sflag:$0x2] =	stream.linear.gather [hbm4b:s7+s3], $0x100, $0x38;
	[tilespmem:$0x1BCC0] =	vst v63  }
0x26: {  	p1 =	por p2, p2;
	s8 =	rddreg [dreg:$0x9]  }
0x27: {  	[tilespmem:s16], [sflag:$0x3] =	stream.linear.gather [hbm4b:s8+s3], $0x100, $0x38;
	[tilespmem:$0x1BCC0] =	vst v63  }
0x28: {  	s0 =	simm.s32 @!p1 $0x7;
	s10 =	rddreg [dreg:$0xa]  }
0x29: {  	[tilespmem:s17], [sflag:$0x4] =	stream.linear.gather [hbm4b:s10+s3], $0x100, $0x38;
	[tilespmem:$0x1BCC0] =	vst v63  }
0x2a: {  	s1 =	sadd.s32 @!p2 $0x0, s5;
	_ =	swait.ge @!p1 [sflag:s0], $0x4000  }
0x2b: {  	s6 =	sadd.s32 @!p2 $0x40, s1;
	[sflag:s0] =	ssyncset.done @!p1 $0x0  }
0x2c: {  	s7 =	simm.s32 @!p1 $0x200;
	[sflag:s0] =	ssyncadd.s32 @!p1 $0xFFFFC000;
	s0 =	simm.s32 @!p1 $0x0  }
0x2d: {  	[tilespmem:s7], [sflag:$0x3] =	stream.linear.gather @!p1 [hbm4b:s6+s0], $0x100, $0x38;
	[tilespmem:$0x1BCC0] =	vst v63  }
0x2e: {  	_ =	swait.ge [sflag:s18], $0x100  }
0x2f: {  	[sflag:s18] =	ssyncset.done $0x0  }
0x30: {  	[sflag:s18] =	ssyncadd.s32 $0xFFFFFF00  }
0x31: {  	[tilespmem:s20], [sflag:$0x5] =	stream.indirect.gather [hbm4b:s9+s19], $0x80, s3, s19, $0xb8;
	[tilespmem:$0x1BCC0] =	vst v63  }
0x32: {  	_ =	swait.ge [sflag:s21], $0x4000  }
0x33: {  	[sflag:s21] =	ssyncset.done $0x0  }
0x34: {  	s6 =	simm.s32 @!p1 $0x8;
	[sflag:s21] =	ssyncadd.s32 $0xFFFFC000  }
0x35: {  	[spmem:s2] =	stream.indirect.scatter.add.f32 [tilespmem:s20], [sflag:$0x7], $0x80, s19, s19, $0xb8;
	[tilespmem:$0x1BCC0] =	vst v63  }
0x36: {  	_ =	swait.ge @!p1 [sflag:s6], $0x4000  }
0x37: {  	[sflag:s6] =	ssyncset.done @!p1 $0x0  }
0x38: {  	s1 =	sadd.s32 @!p2 $0x60, s1;
	[sflag:s6] =	ssyncadd.s32 @!p1 $0xFFFFC000;
	s6 =	simm.s32 @!p1 $0x300  }
0x39: {  	[tilespmem:s6], [sflag:$0x4] =	stream.linear.gather @!p1 [hbm4b:s1+s0], $0x100, $0x38;
	[tilespmem:$0x1BCC0] =	vst v63  }
0x3a: {  	_ =	swait.ge [sflag:s22], $0x100  }
0x3b: {  	[sflag:s22] =	ssyncset.done $0x0  }
0x3c: {  	[sflag:s22] =	ssyncadd.s32 $0xFFFFFF00  }
0x3d: {  	[tilespmem:s23], [sflag:$0x6] =	stream.indirect.gather [hbm4b:s9+s19], $0x80, s15, s19, $0xb8;
	[tilespmem:$0x1BCC0] =	vst v63  }
0x3e: {  	_ =	swait.ge [sflag:s24], $0x4000  }
0x3f: {  	[sflag:s24] =	ssyncset.done $0x0  }
0x40: {  	s11 =	rddreg [dreg:$0x4];
	[sflag:s24] =	ssyncadd.s32 $0xFFFFC000  }
0x41: {  	[spmem:s2] =	stream.indirect.scatter.add.f32 [tilespmem:s23], [sflag:$0x8], $0x80, s11, s19, $0xb8;
	[tilespmem:$0x1BCC0] =	vst v63  }
0x42: {  	p1 =	por $0x0, $0x0;
	_ =	swait.ge [sflag:s26], $0x4000  }
0x43: {  	s0 =	sadd.s32 @!p1 $0x0, s5;
	[sflag:s26] =	ssyncset.done $0x0  }
0x44: {  	s6 =	simm.s32 @!p1 $0x0;
	s1 =	sadd.s32 @!p1 $0x80, s0;
	[sflag:s26] =	ssyncadd.s32 $0xFFFFC000  }
0x45: {  	[tilespmem:s6], [sflag:$0x1] =	stream.linear.gather @!p1 [hbm4b:s1+s6], $0x100, $0x38;
	[tilespmem:$0x1BCC0] =	vst v63  }
0x46: {  	_ =	swait.ge [sflag:s28], $0x100  }
0x47: {  	[sflag:s28] =	ssyncset.done $0x0  }
0x48: {  	[sflag:s28] =	ssyncadd.s32 $0xFFFFFF00  }
0x49: {  	[tilespmem:s20], [sflag:$0x5] =	stream.indirect.gather [hbm4b:s9+s19], $0x80, s16, s19, $0xb8;
	[tilespmem:$0x1BCC0] =	vst v63  }
0x4a: {  	_ =	swait.ge [sflag:s21], $0x4000  }
0x4b: {  	[sflag:s21] =	ssyncset.done $0x0  }
0x4c: {  	s25 =	rddreg [dreg:$0x5];
	[sflag:s21] =	ssyncadd.s32 $0xFFFFC000  }
0x4d: {  	[spmem:s2] =	stream.indirect.scatter.add.f32 [tilespmem:s20], [sflag:$0x7], $0x80, s25, s19, $0xb8;
	[tilespmem:$0x1BCC0] =	vst v63  }
0x4e: {  	_ =	swait.ge [sflag:s29], $0x4000  }
0x4f: {  	[sflag:s29] =	ssyncset.done $0x0  }
0x50: {  	s0 =	sadd.s32 @!p1 $0xA0, s0;
	s1 =	simm.s32 @!p1 $0x100;
	[sflag:s29] =	ssyncadd.s32 $0xFFFFC000  }
0x51: {  	[tilespmem:s1], [sflag:$0x2] =	stream.linear.gather @!p1 [hbm4b:s0+s6], $0x100, $0x38;
	[tilespmem:$0x1BCC0] =	vst v63  }
0x52: {  	_ =	swait.ge [sflag:s30], $0x100  }
0x53: {  	[sflag:s30] =	ssyncset.done $0x0  }
0x54: {  	s7 =	simm.s32 $0x100;
	p1 =	por $0x0, $0x0;
	[sflag:s30] =	ssyncadd.s32 $0xFFFFFF00  }
0x55: {  	[tilespmem:s23], [sflag:$0x6] =	stream.indirect.gather [hbm4b:s9+s19], $0x80, s17, s19, $0xb8;
	[tilespmem:$0x1BCC0] =	vst v63  }
0x56: {  	s0 =	simm.s32 $0x80;
	s1 =	sadd.s32 @!p1 $0x80, s5;
	_ =	swait.ge [sflag:s24], $0x4000  }
0x57: {  	s6 =	sadd.s32 @!p1 $0x40, s1;
	s1 =	sadd.s32 @!p1 $0x60, s1;
	[sflag:s24] =	ssyncset.done $0x0  }
0x58: {  	p1 =	por p1, p1;
	s8 =	rddreg [dreg:$0x6];
	[sflag:s24] =	ssyncadd.s32 $0xFFFFC000  }
.LBB2_2:
0x59: {  	[spmem:s2] =	stream.indirect.scatter.add.f32 [tilespmem:s23], [sflag:$0x8], $0x80, s8, s19, $0xb8;
	[tilespmem:$0x1BCC0] =	vst v63  }
0x5a: {  	s11 =	simm.s32 @!p1 $0x7  }
0x5b: {  	_ =	swait.ge @!p1 [sflag:s11], $0x4000  }
0x5c: {  	[sflag:s11] =	ssyncset.done @!p1 $0x0  }
0x5d: {  	s4 =	simm.s32 @!p1 $0x200;
	[sflag:s11] =	ssyncadd.s32 @!p1 $0xFFFFC000;
	s11 =	simm.s32 @!p1 $0x0  }
0x5e: {  	[tilespmem:s4], [sflag:$0x3] =	stream.linear.gather @!p1 [hbm4b:s6+s11], $0x100, $0x38;
	[tilespmem:$0x1BCC0] =	vst v63  }
0x5f: {  	_ =	swait.ge [sflag:s18], $0x100  }
0x60: {  	[sflag:s18] =	ssyncset.done $0x0  }
0x61: {  	[sflag:s18] =	ssyncadd.s32 $0xFFFFFF00  }
0x62: {  	[tilespmem:s20], [sflag:$0x5] =	stream.indirect.gather [hbm4b:s9+s19], $0x80, s3, s19, $0xb8;
	[tilespmem:$0x1BCC0] =	vst v63  }
0x63: {  	_ =	swait.ge [sflag:s21], $0x4000  }
0x64: {  	[sflag:s21] =	ssyncset.done $0x0  }
0x65: {  	s4 =	simm.s32 @!p1 $0x8;
	[sflag:s21] =	ssyncadd.s32 $0xFFFFC000  }
0x66: {  	[spmem:s2] =	stream.indirect.scatter.add.f32 [tilespmem:s20], [sflag:$0x7], $0x80, s19, s19, $0xb8;
	[tilespmem:$0x1BCC0] =	vst v63  }
0x67: {  	_ =	swait.ge @!p1 [sflag:s4], $0x4000  }
0x68: {  	[sflag:s4] =	ssyncset.done @!p1 $0x0  }
0x69: {  	[sflag:s4] =	ssyncadd.s32 @!p1 $0xFFFFC000;
	s4 =	simm.s32 @!p1 $0x300  }
0x6a: {  	[tilespmem:s4], [sflag:$0x4] =	stream.linear.gather @!p1 [hbm4b:s1+s11], $0x100, $0x38;
	[tilespmem:$0x1BCC0] =	vst v63  }
0x6b: {  	_ =	swait.ge [sflag:s22], $0x100  }
0x6c: {  	s8 =	smov.u32 s7;
	[sflag:s22] =	ssyncset.done $0x0  }
0x6d: {  	p3 =	seq.s32 s8, $0x0;
	[sflag:s22] =	ssyncadd.s32 $0xFFFFFF00  }
0x6e: {  	[tilespmem:s23], [sflag:$0x6] =	stream.indirect.gather [hbm4b:s9+s19], $0x80, s15, s19, $0xb8;
	[tilespmem:$0x1BCC0] =	vst v63  }
0x6f: {  	s10 =	sadd.s32 @!p3 s8, s5;
	_ =	swait.ge [sflag:s24], $0x4000  }
0x70: {  	s25 =	sadd.s32 @!p3 $0x40, s10;
	s10 =	sadd.s32 @!p3 $0x60, s10;
	[sflag:s24] =	ssyncset.done $0x0  }
0x71: {  	s1 =	smov.u32 s10;
	s11 =	rddreg [dreg:$0x4];
	[sflag:s24] =	ssyncadd.s32 $0xFFFFC000  }
0x72: {  	[spmem:s2] =	stream.indirect.scatter.add.f32 [tilespmem:s23], [sflag:$0x8], $0x80, s11, s19, $0xb8;
	[tilespmem:$0x1BCC0] =	vst v63  }
0x73: {  	p1 =	por p3, p3;
	p3 =	seq.s32 s0, $0x980;
	_ =	swait.ge [sflag:s26], $0x4000  }
0x74: {  	s4 =	sadd.s32 @!p3 s0, s5;
	s0 =	smov.u32 s8;
	[sflag:s26] =	ssyncset.done $0x0  }
0x75: {  	s10 =	simm.s32 @!p3 $0x0;
	s8 =	sadd.s32 @!p3 $0x80, s4;
	[sflag:s26] =	ssyncadd.s32 $0xFFFFC000  }
0x76: {  	[tilespmem:s10], [sflag:$0x1] =	stream.linear.gather @!p3 [hbm4b:s8+s10], $0x100, $0x38;
	[tilespmem:$0x1BCC0] =	vst v63  }
0x77: {  	_ =	swait.ge [sflag:s28], $0x100  }
0x78: {  	[sflag:s28] =	ssyncset.done $0x0  }
0x79: {  	[sflag:s28] =	ssyncadd.s32 $0xFFFFFF00  }
0x7a: {  	[tilespmem:s20], [sflag:$0x5] =	stream.indirect.gather [hbm4b:s9+s19], $0x80, s16, s19, $0xb8;
	[tilespmem:$0x1BCC0] =	vst v63  }
0x7b: {  	_ =	swait.ge [sflag:s21], $0x4000  }
0x7c: {  	[sflag:s21] =	ssyncset.done $0x0  }
0x7d: {  	s6 =	smov.u32 s25;
	s25 =	rddreg [dreg:$0x5];
	[sflag:s21] =	ssyncadd.s32 $0xFFFFC000  }
0x7e: {  	[spmem:s2] =	stream.indirect.scatter.add.f32 [tilespmem:s20], [sflag:$0x7], $0x80, s25, s19, $0xb8;
	[tilespmem:$0x1BCC0] =	vst v63  }
0x7f: {  	_ =	swait.ge [sflag:s29], $0x4000  }
0x80: {  	[sflag:s29] =	ssyncset.done $0x0  }
0x81: {  	s4 =	sadd.s32 @!p3 $0xA0, s4;
	s8 =	simm.s32 @!p3 $0x100;
	[sflag:s29] =	ssyncadd.s32 $0xFFFFC000  }
0x82: {  	[tilespmem:s8], [sflag:$0x2] =	stream.linear.gather @!p3 [hbm4b:s4+s10], $0x100, $0x38;
	[tilespmem:$0x1BCC0] =	vst v63  }
0x83: {  	s7 =	sadd.s32 $0x80, s7;
	_ =	swait.ge [sflag:s30], $0x100  }
0x84: {  	p2 =	sne.s32 s7, $0xA00;
	[sflag:s30] =	ssyncset.done $0x0  }
.Ltmp0:
0x85: {  	[sflag:s30] =	ssyncadd.s32 $0xFFFFFF00;
	(pc) =	sbr.rel @p2 .LBB2_2-.Ltmp0, $4  }
0x86: {  	[tilespmem:s23], [sflag:$0x6] =	stream.indirect.gather [hbm4b:s9+s19], $0x80, s17, s19, $0xb8;
	[tilespmem:$0x1BCC0] =	vst v63  }
0x87: {  	_ =	swait.ge [sflag:s24], $0x4000  }
0x88: {  	[sflag:s24] =	ssyncset.done $0x0  }
0x89: {  	s8 =	rddreg [dreg:$0x6];
	[sflag:s24] =	ssyncadd.s32 $0xFFFFC000  }
0x8a: {  	[spmem:s2] =	stream.indirect.scatter.add.f32 [tilespmem:s23], [sflag:$0x8], $0x80, s8, s19, $0xb8;
	[tilespmem:$0x1BCC0] =	vst v63  }
0x8b: {  	s4 =	simm.s32 @!p1 $0x7  }
0x8c: {  	_ =	swait.ge @!p1 [sflag:s4], $0x4000  }
0x8d: {  	[sflag:s4] =	ssyncset.done @!p1 $0x0  }
0x8e: {  	s7 =	simm.s32 @!p1 $0x200;
	[sflag:s4] =	ssyncadd.s32 @!p1 $0xFFFFC000;
	s4 =	simm.s32 @!p1 $0x0  }
0x8f: {  	[tilespmem:s7], [sflag:$0x3] =	stream.linear.gather @!p1 [hbm4b:s6+s4], $0x100, $0x38;
	[tilespmem:$0x1BCC0] =	vst v63  }
0x90: {  	_ =	swait.ge [sflag:s18], $0x100  }
0x91: {  	[sflag:s18] =	ssyncset.done $0x0  }
0x92: {  	[sflag:s18] =	ssyncadd.s32 $0xFFFFFF00  }
0x93: {  	[tilespmem:s20], [sflag:$0x5] =	stream.indirect.gather [hbm4b:s9+s19], $0x80, s3, s19, $0xb8;
	[tilespmem:$0x1BCC0] =	vst v63  }
0x94: {  	_ =	swait.ge [sflag:s21], $0x4000  }
0x95: {  	[sflag:s21] =	ssyncset.done $0x0  }
0x96: {  	s6 =	simm.s32 @!p1 $0x8;
	[sflag:s21] =	ssyncadd.s32 $0xFFFFC000  }
0x97: {  	[spmem:s2] =	stream.indirect.scatter.add.f32 [tilespmem:s20], [sflag:$0x7], $0x80, s19, s19, $0xb8;
	[tilespmem:$0x1BCC0] =	vst v63  }
0x98: {  	_ =	swait.ge @!p1 [sflag:s6], $0x4000  }
0x99: {  	[sflag:s6] =	ssyncset.done @!p1 $0x0  }
0x9a: {  	[sflag:s6] =	ssyncadd.s32 @!p1 $0xFFFFC000;
	s6 =	simm.s32 @!p1 $0x300  }
0x9b: {  	[tilespmem:s6], [sflag:$0x4] =	stream.linear.gather @!p1 [hbm4b:s1+s4], $0x100, $0x38;
	[tilespmem:$0x1BCC0] =	vst v63  }
0x9c: {  	_ =	swait.ge [sflag:s22], $0x100  }
0x9d: {  	[sflag:s22] =	ssyncset.done $0x0  }
0x9e: {  	[sflag:s22] =	ssyncadd.s32 $0xFFFFFF00  }
0x9f: {  	[tilespmem:s23], [sflag:$0x6] =	stream.indirect.gather [hbm4b:s9+s19], $0x80, s15, s19, $0xb8;
	[tilespmem:$0x1BCC0] =	vst v63  }
0xa0: {  	_ =	swait.ge [sflag:s24], $0x4000  }
0xa1: {  	[sflag:s24] =	ssyncset.done $0x0  }
0xa2: {  	s8 =	rddreg [dreg:$0x4];
	[sflag:s24] =	ssyncadd.s32 $0xFFFFC000  }
0xa3: {  	[spmem:s2] =	stream.indirect.scatter.add.f32 [tilespmem:s23], [sflag:$0x8], $0x80, s8, s19, $0xb8;
	[tilespmem:$0x1BCC0] =	vst v63  }
0xa4: {  	p1 =	seq.s32 s0, $0x980;
	_ =	swait.ge [sflag:s26], $0x4000  }
0xa5: {  	s0 =	sadd.s32 @!p1 s0, s5;
	[sflag:s26] =	ssyncset.done $0x0  }
0xa6: {  	s4 =	simm.s32 @!p1 $0x0;
	s1 =	sadd.s32 @!p1 $0x80, s0;
	[sflag:s26] =	ssyncadd.s32 $0xFFFFC000  }
0xa7: {  	[tilespmem:s4], [sflag:$0x1] =	stream.linear.gather @!p1 [hbm4b:s1+s4], $0x100, $0x38;
	[tilespmem:$0x1BCC0] =	vst v63  }
0xa8: {  	_ =	swait.ge [sflag:s28], $0x100  }
0xa9: {  	[sflag:s28] =	ssyncset.done $0x0  }
0xaa: {  	[sflag:s28] =	ssyncadd.s32 $0xFFFFFF00  }
0xab: {  	[tilespmem:s20], [sflag:$0x5] =	stream.indirect.gather [hbm4b:s9+s19], $0x80, s16, s19, $0xb8;
	[tilespmem:$0x1BCC0] =	vst v63  }
0xac: {  	_ =	swait.ge [sflag:s21], $0x4000  }
0xad: {  	[sflag:s21] =	ssyncset.done $0x0  }
0xae: {  	s10 =	rddreg [dreg:$0x5];
	[sflag:s21] =	ssyncadd.s32 $0xFFFFC000  }
0xaf: {  	[spmem:s2] =	stream.indirect.scatter.add.f32 [tilespmem:s20], [sflag:$0x7], $0x80, s10, s19, $0xb8;
	[tilespmem:$0x1BCC0] =	vst v63  }
0xb0: {  	_ =	swait.ge [sflag:s29], $0x4000  }
0xb1: {  	[sflag:s29] =	ssyncset.done $0x0  }
0xb2: {  	s0 =	sadd.s32 @!p1 $0xA0, s0;
	s1 =	simm.s32 @!p1 $0x100;
	[sflag:s29] =	ssyncadd.s32 $0xFFFFC000  }
0xb3: {  	[tilespmem:s1], [sflag:$0x2] =	stream.linear.gather @!p1 [hbm4b:s0+s4], $0x100, $0x38;
	[tilespmem:$0x1BCC0] =	vst v63  }
0xb4: {  	_ =	swait.ge [sflag:s30], $0x100  }
0xb5: {  	[sflag:s30] =	ssyncset.done $0x0  }
0xb6: {  	[sflag:s30] =	ssyncadd.s32 $0xFFFFFF00  }
0xb7: {  	[tilespmem:s23], [sflag:$0x6] =	stream.indirect.gather [hbm4b:s9+s19], $0x80, s17, s19, $0xb8;
	[tilespmem:$0x1BCC0] =	vst v63  }
0xb8: {  	_ =	swait.ge [sflag:s24], $0x4000  }
0xb9: {  	[sflag:s24] =	ssyncset.done $0x0  }
0xba: {  	s11 =	rddreg [dreg:$0x6];
	[sflag:s24] =	ssyncadd.s32 $0xFFFFC000  }
0xbb: {  	[spmem:s2] =	stream.indirect.scatter.add.f32 [tilespmem:s23], [sflag:$0x8], $0x80, s11, s19, $0xb8;
	[tilespmem:$0x1BCC0] =	vst v63  }
0xbc: {  	_ =	swait.ge [sflag:s26], $0x4000  }
0xbd: {  	[sflag:s26] =	ssyncset.done $0x0  }
0xbe: {  	[sflag:s26] =	ssyncadd.s32 $0xFFFFC000  }
0xbf: {  	_ =	swait.ge [sflag:s29], $0x4000  }
0xc0: {  	[sflag:s29] =	ssyncset.done $0x0  }
0xc1: {  	[sflag:s29] =	ssyncadd.s32 $0xFFFFC000  }
0xc2: {  	[bflag:$0x0] =	sbarrier.arrive $0xFFFF  }
0xc3: {  	s0 =	rddreg [dreg:$0xb]  }
0xc4: {  	s1 =	simm.s32 @p0 $0x1FC9;
	s0 =	sadd.s32 @p0 $0x25080, s0  }
0xc5: {  	[hbm:s0], [sflag:s1] =	dma.local @p0 [spmem:s12], $0x2080  }
0xc6: {  	s0 =	simm.s32 @p0 $0x9  }
0xc7: {  	_ =	swait.ge @p0 [sflag:s0], $0x2080  }
0xc8: {  	[sflag:s0] =	ssyncset.done @p0 $0x0  }
0xc9: {  	[sflag:s0] =	ssyncadd.s32 @p0 $0xFFFFDF80;
	s0 =	rddreg [dreg:$0xd]  }
0xca: {  	[hbm:s0], [sflag:s13] =	dma.local @!p0 [spmem:s14], $0x2780  }
0xcb: {  	s0 =	simm.s32 @!p0 $0x9  }
0xcc: {  	_ =	swait.ge @!p0 [sflag:s0], $0x2780  }
0xcd: {  	s31 =	sadd.s32 $0x1, s31;
	s25 =	rddreg [dreg:$0xc]  }
0xce: {  	p1 =	sne.s32 s31, s25  }
.Ltmp1:
0xcf: {  	_ = 	snop;
	(pc) =	sbr.rel @p1 .LBB2_1-.Ltmp1, $3  }
0xd0: {  	_ =	sdelay $0x1  }
0xd1: {  	[sflag:s0] =	ssyncset.done @!p0 $0x0  }
0xd2: {  	[sflag:s0] =	ssyncadd.s32 @!p0 $0xFFFFD880  }
0xd3: {  	_ =	sfence.sel $0x180000  }
0xd4: {  	[bflag:$0x0] =	sbarrier.arrive $0xFFFF  }
0xd5: {  	_ =	strace $0x90000047  }
0xd6: {  	s0 =	stileid.u32;
	[bflag:$0x2] =	sbarrier.arrive $0xFFFF  }
0xd7: {  	p0 =	sne.s32 s0, $0x0;
	s0 =	rddreg [dreg:$0x3]  }
0xd8: {  	s0 =	sadd.s32 @!p0 $0x100000, s0  }
0xd9: {  	[sflag:s0] =	ssyncadd.tile.s32 @!p0 $0x1;
	_ =	shalt  }
.Lfunc_end2:
_tile_overlayer_lowered:
.L_overlay_start_2:
0xda: {  	(tag) =	ssettag $0x2  }
0xdb: {  	s0 =	rddreg [dreg:$0x0];
	s2 =	stileid.u32  }
0xdc: {  	s1 =	rddreg [dreg:$0x1];
	p0 =	sne.s32 s2, $0x0  }
0xdd: {  	s3 =	rddreg [dreg:$0x2];
	[bflag:$0x3] =	sbarrier.arrive $0xFFFF;
	s2 =	simm.s32 @!p0 $0x1C09  }
0xde: {  	[timem:s3], [sflag:s2] =	dma.local @!p0 [hbm:s0], s1  }
0xdf: {  	s0 =	simm.s32 @!p0 $0x9  }
0xe0: {  	_ =	swait.ge @!p0 [sflag:s0], s1  }
0xe1: {  	s1 =	ssub.s32 @!p0 $0x0, s1;
	[sflag:s0] =	ssyncset.done @!p0 $0x0  }
0xe2: {  	[sflag:s0] =	ssyncadd.s32 @!p0 s1  }
0xe3: {  	[bflag:$0x3] =	sbarrier.arrive $0xFFFF  }
0xe4: {  	_ =	shalt  }

</sc_bundles>
